<compile_context>
chip_gen: v7x
topology: tpu7x:2x2x1
jax: 0.10.2.dev20260603
libtpu: 0.0.44.dev20260713+nightly
codegen_flags: <defaults>
</compile_context>

<pallas_src>
import jax
import jax.numpy as jnp
from jax import lax
from jax.experimental import pallas as pl
from jax.experimental.pallas import tpu as pltpu
from jax.experimental.pallas import tpu_sc as plsc

D_MODEL = 2048
NUM_CORES = 2
NUM_SUBCORES = 16
NUM_WORKERS = NUM_CORES * NUM_SUBCORES
L = 16
REP = 16


def _sc_embed(x_flat, table, tokens_per_worker):
    num_tokens = x_flat.shape[0]
    num_vregs = tokens_per_worker // L
    pos_cap = tokens_per_worker + REP

    def body(x_hbm, tab_hbm, out_hbm, idx_v, tab_v, pos0, pos1, rep0, rep1,
             gsem, isem, ssem):
        wid = lax.axis_index("s") * NUM_CORES + lax.axis_index("c")
        base = wid * tokens_per_worker

        pltpu.async_copy(x_hbm.at[pl.ds(base, tokens_per_worker)], idx_v,
                         isem)
        pltpu.async_copy(tab_hbm, tab_v, gsem)

        pltpu.make_async_copy(tab_hbm, tab_v, gsem).wait()

        def rep_fill(j, acc):
            v0 = tab_v[0, pl.ds(j * L, L)]
            v1 = tab_v[1, pl.ds(j * L, L)]
            for r in range(REP):
                rep0[r, pl.ds(j * L, L)] = v0
                rep1[r, pl.ds(j * L, L)] = v1
            return acc

        lax.fori_loop(0, D_MODEL // L, rep_fill, jnp.int32(0))

        pltpu.make_async_copy(x_hbm.at[pl.ds(base, tokens_per_worker)],
                              idx_v, isem).wait()

        lane = lax.iota(jnp.int32, L)

        def build(v, carry):
            c0, c1 = carry
            tok = idx_v[pl.ds(v * L, L)]
            posv = lane + (base + v * L)
            m1 = tok == 1
            m0 = tok == 0
            mi1 = jnp.where(m1, 1, 0).astype(jnp.int32)
            incl1 = plsc.cumsum(mi1)
            excl1 = incl1 - mi1
            dest1 = jnp.where(m1, c1 + excl1, pos_cap - 1)
            dest0 = jnp.where(m0, c0 + (lane - excl1), pos_cap - 1)
            plsc.store_scatter(pos1, [dest1], posv)
            plsc.store_scatter(pos0, [dest0], posv)
            n1 = jnp.sum(mi1)
            return c0 + (L - n1), c1 + n1

        def fire0(j, acc):
            pv = pos0[pl.ds(j * REP, REP)]
            pltpu.async_copy(rep0, out_hbm.at[pv], ssem)
            return acc

        def fire1(j, acc):
            pv = pos1[pl.ds(j * REP, REP)]
            pltpu.async_copy(rep1, out_hbm.at[pv], ssem)
            return acc

        CH = 8

        def chunk(k, carry):
            c0, c1, f0, f1 = carry
            c0, c1 = lax.fori_loop(k * CH, (k + 1) * CH, build, (c0, c1))
            m0c = c0 // REP
            m1c = c1 // REP
            lax.fori_loop(f0, m0c, fire0, jnp.int32(0))
            lax.fori_loop(f1, m1c, fire1, jnp.int32(0))
            return c0, c1, m0c, m1c

        c0, c1, f0, f1 = lax.fori_loop(
            0, num_vregs // CH, chunk,
            (jnp.int32(0), jnp.int32(0), jnp.int32(0), jnp.int32(0)))

        @pl.when(c0 > 0)
        def _():
            last = plsc.load_gather(pos0, [jnp.full((L,), c0 - 1, jnp.int32)])
            pos0[pl.ds(c0, L)] = last

        @pl.when(c1 > 0)
        def _():
            last = plsc.load_gather(pos1, [jnp.full((L,), c1 - 1, jnp.int32)])
            pos1[pl.ds(c1, L)] = last

        n0 = (c0 + (REP - 1)) // REP
        n1 = (c1 + (REP - 1)) // REP

        lax.fori_loop(f0, n0, fire0, jnp.int32(0))
        lax.fori_loop(f1, n1, fire1, jnp.int32(0))

        def drain(j, acc):
            pv = pos0[pl.ds(0, REP)]
            pltpu.make_async_copy(rep0, out_hbm.at[pv], ssem).wait()
            return acc

        lax.fori_loop(0, n0 + n1, drain, jnp.int32(0))

    run = pl.kernel(
        body,
        out_type=jax.ShapeDtypeStruct((num_tokens, D_MODEL), jnp.float32),
        mesh=plsc.VectorSubcoreMesh(core_axis_name="c", subcore_axis_name="s"),
        compiler_params=pltpu.CompilerParams(needs_layout_passes=False),
        scratch_types=[
            pltpu.VMEM((tokens_per_worker,), jnp.int32),
            pltpu.VMEM((2, D_MODEL), jnp.float32),
            pltpu.VMEM((pos_cap,), jnp.int32),
            pltpu.VMEM((pos_cap,), jnp.int32),
            pltpu.VMEM((REP, D_MODEL), jnp.float32),
            pltpu.VMEM((REP, D_MODEL), jnp.float32),
            pltpu.SemaphoreType.DMA,
            pltpu.SemaphoreType.DMA,
            pltpu.SemaphoreType.DMA,
        ],
    )
    return run(x_flat, table)


def kernel(x, table):
    bsz, seq = x.shape
    num_tokens = bsz * seq
    x_flat = x.reshape(num_tokens).astype(jnp.int32)
    tokens_per_worker = num_tokens // NUM_WORKERS
    out = _sc_embed(x_flat, table, tokens_per_worker)
    return out.reshape(bsz, seq, table.shape[1])

# --- scband reference (transcript-rebuilt; emitter-appended) ---
"""Pipeline reference for scband-contextencodeding-45389214384278 (READ-ONLY COPY).

The authoritative reference and input builder live on the scoring server;
editing this copy changes nothing except your own understanding.
"""

import jax, jax.numpy as jnp
import numpy as np

D_MODEL = 2048
VOCAB_SIZE = 2

def setup_inputs(seed: int = 0) -> dict:
    key = jax.random.key(seed)
    k1, k2 = jax.random.split(key)
    x = jax.random.randint(k1, (4, 8192), 0, VOCAB_SIZE, dtype=jnp.int64 if jax.config.jax_enable_x64 else jnp.int32)
    # learned embedding table, nn.Embedding default init ~ N(0,1)
    table = jax.random.normal(k2, (VOCAB_SIZE, D_MODEL), dtype=jnp.float32)
    return {"x": x, "table": table}

def reference(x, table):
    # Faithful translation of nn.Embedding(vocab_size, d_model)(x)
    return jnp.take(table, x, axis=0)

if __name__ == "__main__":
    import jax
    _d = setup_inputs()
    print(jax.jit(kernel)(*tuple(_d.values())))

</pallas_src>

<mosaic_0001>
#map = affine_map<(d0, d1) -> (0)>
#map1 = affine_map<(d0, d1) -> (0, 0)>
module attributes {stable_mosaic.version = 14 : i64} {
  func.func @body(%arg0: i32, %arg1: i32, %arg2: memref<32768xi32, #tpu.memory_space<hbm>>, %arg3: memref<2x2048xf32, #tpu.memory_space<hbm>>, %arg4: memref<32768x2048xf32, #tpu.memory_space<hbm>>, %arg5: memref<1024xi32, #tpu.memory_space<vmem>>, %arg6: memref<2x2048xf32, #tpu.memory_space<vmem>>, %arg7: memref<1040xi32, #tpu.memory_space<vmem>>, %arg8: memref<1040xi32, #tpu.memory_space<vmem>>, %arg9: memref<16x2048xf32, #tpu.memory_space<vmem>>, %arg10: memref<16x2048xf32, #tpu.memory_space<vmem>>, %arg11: memref<!tpu.dma_semaphore, #tpu.memory_space<semaphore_mem>>, %arg12: memref<!tpu.dma_semaphore, #tpu.memory_space<semaphore_mem>>, %arg13: memref<!tpu.dma_semaphore, #tpu.memory_space<semaphore_mem>>) attributes {dimension_semantics = [#tpu.dimension_semantics<core_parallel>, #tpu.dimension_semantics<subcore_parallel>], iteration_bounds = array<i64: 2, 16>, scalar_prefetch = 0 : i64, scratch_operands = 9 : i64, tpu.core_type = #tpu.core_type<sc_vector_subcore>, window_params = [{transform_indices = #map}, {transform_indices = #map1}, {transform_indices = #map1}]} {
    %mul3A = arith.constant 2 : i32
    %mul3A_0 = arith.muli %arg1, %mul3A : i32
    %add3A = arith.addi %mul3A_0, %arg0 : i32
    %mul3A_1 = arith.constant 1024 : i32
    %mul3A_2 = arith.muli %add3A, %mul3A_1 : i32
    %dma_start3A = tpu.memref_slice %arg2[%mul3A_2] : memref<32768xi32, #tpu.memory_space<hbm>> -> memref<1024xi32, #tpu.memory_space<hbm>>
    %dma_start3A_3 = tpu.memref_slice %arg2[%mul3A_2] : memref<32768xi32, #tpu.memory_space<hbm>> -> memref<1024xi32, #tpu.memory_space<hbm>>
    tpu.enqueue_dma source(%dma_start3A_3 : memref<1024xi32, #tpu.memory_space<hbm>>) target(%arg5 : memref<1024xi32, #tpu.memory_space<vmem>>) target_semaphore(%arg12 : memref<!tpu.dma_semaphore, #tpu.memory_space<semaphore_mem>>)
    tpu.enqueue_dma source(%arg3 : memref<2x2048xf32, #tpu.memory_space<hbm>>) target(%arg6 : memref<2x2048xf32, #tpu.memory_space<vmem>>) target_semaphore(%arg11 : memref<!tpu.dma_semaphore, #tpu.memory_space<semaphore_mem>>)
    tpu.wait_dma2 semaphore(%arg11 : memref<!tpu.dma_semaphore, #tpu.memory_space<semaphore_mem>>) src(%arg3 : memref<2x2048xf32, #tpu.memory_space<hbm>>) dst(%arg6 : memref<2x2048xf32, #tpu.memory_space<vmem>>)
    %scan3A = arith.constant 0 : i32
    %scan3A_4 = arith.constant 0 : i32
    %scan3A_5 = arith.constant 128 : i32
    %scan3A_6 = arith.addi %scan3A_4, %scan3A_5 : i32
    %scan3A_7 = arith.constant 1 : i32
    scf.for %scan3A_99 = %scan3A_4 to %scan3A_6 step %scan3A_7  : i32 {
      %mul3A_100 = arith.constant 16 : i32
      %mul3A_101 = arith.muli %scan3A_99, %mul3A_100 : i32
      %get3A = arith.constant 0 : i32
      %get3A_102 = arith.index_cast %get3A : i32 to index
      %get3A_103 = arith.index_cast %mul3A_101 : i32 to index
      %get3A_104 = tpu.vector_load %arg6[%get3A_102, %get3A_103] {strides = array<i32>} : memref<2x2048xf32, #tpu.memory_space<vmem>>, vector<16xf32>,
      %mul3A_105 = arith.constant 16 : i32
      %mul3A_106 = arith.muli %scan3A_99, %mul3A_105 : i32
      %get3A_107 = arith.constant 1 : i32
      %get3A_108 = arith.index_cast %get3A_107 : i32 to index
      %get3A_109 = arith.index_cast %mul3A_106 : i32 to index
      %get3A_110 = tpu.vector_load %arg6[%get3A_108, %get3A_109] {strides = array<i32>} : memref<2x2048xf32, #tpu.memory_space<vmem>>, vector<16xf32>,
      %mul3A_111 = arith.constant 16 : i32
      %mul3A_112 = arith.muli %scan3A_99, %mul3A_111 : i32
      %swap3A = arith.constant 0 : i32
      %swap3A_113 = arith.index_cast %swap3A : i32 to index
      %swap3A_114 = arith.index_cast %mul3A_112 : i32 to index
      %swap3A_115 = tpu.vector_load %arg9[%swap3A_113, %swap3A_114] {strides = array<i32>} : memref<16x2048xf32, #tpu.memory_space<vmem>>, vector<16xf32>,
      tpu.vector_store %arg9[%swap3A_113, %swap3A_114], %get3A_104 {strides = array<i32>} : memref<16x2048xf32, #tpu.memory_space<vmem>>, vector<16xf32>,
      %mul3A_116 = arith.constant 16 : i32
      %mul3A_117 = arith.muli %scan3A_99, %mul3A_116 : i32
      %swap3A_118 = arith.constant 0 : i32
      %swap3A_119 = arith.index_cast %swap3A_118 : i32 to index
      %swap3A_120 = arith.index_cast %mul3A_117 : i32 to index
      %swap3A_121 = tpu.vector_load %arg10[%swap3A_119, %swap3A_120] {strides = array<i32>} : memref<16x2048xf32, #tpu.memory_space<vmem>>, vector<16xf32>,
      tpu.vector_store %arg10[%swap3A_119, %swap3A_120], %get3A_110 {strides = array<i32>} : memref<16x2048xf32, #tpu.memory_space<vmem>>, vector<16xf32>,
      %mul3A_122 = arith.constant 16 : i32
      %mul3A_123 = arith.muli %scan3A_99, %mul3A_122 : i32
      %swap3A_124 = arith.constant 1 : i32
      %swap3A_125 = arith.index_cast %swap3A_124 : i32 to index
      %swap3A_126 = arith.index_cast %mul3A_123 : i32 to index
      %swap3A_127 = tpu.vector_load %arg9[%swap3A_125, %swap3A_126] {strides = array<i32>} : memref<16x2048xf32, #tpu.memory_space<vmem>>, vector<16xf32>,
      tpu.vector_store %arg9[%swap3A_125, %swap3A_126], %get3A_104 {strides = array<i32>} : memref<16x2048xf32, #tpu.memory_space<vmem>>, vector<16xf32>,
      %mul3A_128 = arith.constant 16 : i32
      %mul3A_129 = arith.muli %scan3A_99, %mul3A_128 : i32
      %swap3A_130 = arith.constant 1 : i32
      %swap3A_131 = arith.index_cast %swap3A_130 : i32 to index
      %swap3A_132 = arith.index_cast %mul3A_129 : i32 to index
      %swap3A_133 = tpu.vector_load %arg10[%swap3A_131, %swap3A_132] {strides = array<i32>} : memref<16x2048xf32, #tpu.memory_space<vmem>>, vector<16xf32>,
      tpu.vector_store %arg10[%swap3A_131, %swap3A_132], %get3A_110 {strides = array<i32>} : memref<16x2048xf32, #tpu.memory_space<vmem>>, vector<16xf32>,
      %mul3A_134 = arith.constant 16 : i32
      %mul3A_135 = arith.muli %scan3A_99, %mul3A_134 : i32
      %swap3A_136 = arith.constant 2 : i32
      %swap3A_137 = arith.index_cast %swap3A_136 : i32 to index
      %swap3A_138 = arith.index_cast %mul3A_135 : i32 to index
      %swap3A_139 = tpu.vector_load %arg9[%swap3A_137, %swap3A_138] {strides = array<i32>} : memref<16x2048xf32, #tpu.memory_space<vmem>>, vector<16xf32>,
      tpu.vector_store %arg9[%swap3A_137, %swap3A_138], %get3A_104 {strides = array<i32>} : memref<16x2048xf32, #tpu.memory_space<vmem>>, vector<16xf32>,
      %mul3A_140 = arith.constant 16 : i32
      %mul3A_141 = arith.muli %scan3A_99, %mul3A_140 : i32
      %swap3A_142 = arith.constant 2 : i32
      %swap3A_143 = arith.index_cast %swap3A_142 : i32 to index
      %swap3A_144 = arith.index_cast %mul3A_141 : i32 to index
      %swap3A_145 = tpu.vector_load %arg10[%swap3A_143, %swap3A_144] {strides = array<i32>} : memref<16x2048xf32, #tpu.memory_space<vmem>>, vector<16xf32>,
      tpu.vector_store %arg10[%swap3A_143, %swap3A_144], %get3A_110 {strides = array<i32>} : memref<16x2048xf32, #tpu.memory_space<vmem>>, vector<16xf32>,
      %mul3A_146 = arith.constant 16 : i32
      %mul3A_147 = arith.muli %scan3A_99, %mul3A_146 : i32
      %swap3A_148 = arith.constant 3 : i32
      %swap3A_149 = arith.index_cast %swap3A_148 : i32 to index
      %swap3A_150 = arith.index_cast %mul3A_147 : i32 to index
      %swap3A_151 = tpu.vector_load %arg9[%swap3A_149, %swap3A_150] {strides = array<i32>} : memref<16x2048xf32, #tpu.memory_space<vmem>>, vector<16xf32>,
      tpu.vector_store %arg9[%swap3A_149, %swap3A_150], %get3A_104 {strides = array<i32>} : memref<16x2048xf32, #tpu.memory_space<vmem>>, vector<16xf32>,
      %mul3A_152 = arith.constant 16 : i32
      %mul3A_153 = arith.muli %scan3A_99, %mul3A_152 : i32
      %swap3A_154 = arith.constant 3 : i32
      %swap3A_155 = arith.index_cast %swap3A_154 : i32 to index
      %swap3A_156 = arith.index_cast %mul3A_153 : i32 to index
      %swap3A_157 = tpu.vector_load %arg10[%swap3A_155, %swap3A_156] {strides = array<i32>} : memref<16x2048xf32, #tpu.memory_space<vmem>>, vector<16xf32>,
      tpu.vector_store %arg10[%swap3A_155, %swap3A_156], %get3A_110 {strides = array<i32>} : memref<16x2048xf32, #tpu.memory_space<vmem>>, vector<16xf32>,
      %mul3A_158 = arith.constant 16 : i32
      %mul3A_159 = arith.muli %scan3A_99, %mul3A_158 : i32
      %swap3A_160 = arith.constant 4 : i32
      %swap3A_161 = arith.index_cast %swap3A_160 : i32 to index
      %swap3A_162 = arith.index_cast %mul3A_159 : i32 to index
      %swap3A_163 = tpu.vector_load %arg9[%swap3A_161, %swap3A_162] {strides = array<i32>} : memref<16x2048xf32, #tpu.memory_space<vmem>>, vector<16xf32>,
      tpu.vector_store %arg9[%swap3A_161, %swap3A_162], %get3A_104 {strides = array<i32>} : memref<16x2048xf32, #tpu.memory_space<vmem>>, vector<16xf32>,
      %mul3A_164 = arith.constant 16 : i32
      %mul3A_165 = arith.muli %scan3A_99, %mul3A_164 : i32
      %swap3A_166 = arith.constant 4 : i32
      %swap3A_167 = arith.index_cast %swap3A_166 : i32 to index
      %swap3A_168 = arith.index_cast %mul3A_165 : i32 to index
      %swap3A_169 = tpu.vector_load %arg10[%swap3A_167, %swap3A_168] {strides = array<i32>} : memref<16x2048xf32, #tpu.memory_space<vmem>>, vector<16xf32>,
      tpu.vector_store %arg10[%swap3A_167, %swap3A_168], %get3A_110 {strides = array<i32>} : memref<16x2048xf32, #tpu.memory_space<vmem>>, vector<16xf32>,
      %mul3A_170 = arith.constant 16 : i32
      %mul3A_171 = arith.muli %scan3A_99, %mul3A_170 : i32
      %swap3A_172 = arith.constant 5 : i32
      %swap3A_173 = arith.index_cast %swap3A_172 : i32 to index
      %swap3A_174 = arith.index_cast %mul3A_171 : i32 to index
      %swap3A_175 = tpu.vector_load %arg9[%swap3A_173, %swap3A_174] {strides = array<i32>} : memref<16x2048xf32, #tpu.memory_space<vmem>>, vector<16xf32>,
      tpu.vector_store %arg9[%swap3A_173, %swap3A_174], %get3A_104 {strides = array<i32>} : memref<16x2048xf32, #tpu.memory_space<vmem>>, vector<16xf32>,
      %mul3A_176 = arith.constant 16 : i32
      %mul3A_177 = arith.muli %scan3A_99, %mul3A_176 : i32
      %swap3A_178 = arith.constant 5 : i32
      %swap3A_179 = arith.index_cast %swap3A_178 : i32 to index
      %swap3A_180 = arith.index_cast %mul3A_177 : i32 to index
      %swap3A_181 = tpu.vector_load %arg10[%swap3A_179, %swap3A_180] {strides = array<i32>} : memref<16x2048xf32, #tpu.memory_space<vmem>>, vector<16xf32>,
      tpu.vector_store %arg10[%swap3A_179, %swap3A_180], %get3A_110 {strides = array<i32>} : memref<16x2048xf32, #tpu.memory_space<vmem>>, vector<16xf32>,
      %mul3A_182 = arith.constant 16 : i32
      %mul3A_183 = arith.muli %scan3A_99, %mul3A_182 : i32
      %swap3A_184 = arith.constant 6 : i32
      %swap3A_185 = arith.index_cast %swap3A_184 : i32 to index
      %swap3A_186 = arith.index_cast %mul3A_183 : i32 to index
      %swap3A_187 = tpu.vector_load %arg9[%swap3A_185, %swap3A_186] {strides = array<i32>} : memref<16x2048xf32, #tpu.memory_space<vmem>>, vector<16xf32>,
      tpu.vector_store %arg9[%swap3A_185, %swap3A_186], %get3A_104 {strides = array<i32>} : memref<16x2048xf32, #tpu.memory_space<vmem>>, vector<16xf32>,
      %mul3A_188 = arith.constant 16 : i32
      %mul3A_189 = arith.muli %scan3A_99, %mul3A_188 : i32
      %swap3A_190 = arith.constant 6 : i32
      %swap3A_191 = arith.index_cast %swap3A_190 : i32 to index
      %swap3A_192 = arith.index_cast %mul3A_189 : i32 to index
      %swap3A_193 = tpu.vector_load %arg10[%swap3A_191, %swap3A_192] {strides = array<i32>} : memref<16x2048xf32, #tpu.memory_space<vmem>>, vector<16xf32>,
      tpu.vector_store %arg10[%swap3A_191, %swap3A_192], %get3A_110 {strides = array<i32>} : memref<16x2048xf32, #tpu.memory_space<vmem>>, vector<16xf32>,
      %mul3A_194 = arith.constant 16 : i32
      %mul3A_195 = arith.muli %scan3A_99, %mul3A_194 : i32
      %swap3A_196 = arith.constant 7 : i32
      %swap3A_197 = arith.index_cast %swap3A_196 : i32 to index
      %swap3A_198 = arith.index_cast %mul3A_195 : i32 to index
      %swap3A_199 = tpu.vector_load %arg9[%swap3A_197, %swap3A_198] {strides = array<i32>} : memref<16x2048xf32, #tpu.memory_space<vmem>>, vector<16xf32>,
      tpu.vector_store %arg9[%swap3A_197, %swap3A_198], %get3A_104 {strides = array<i32>} : memref<16x2048xf32, #tpu.memory_space<vmem>>, vector<16xf32>,
      %mul3A_200 = arith.constant 16 : i32
      %mul3A_201 = arith.muli %scan3A_99, %mul3A_200 : i32
      %swap3A_202 = arith.constant 7 : i32
      %swap3A_203 = arith.index_cast %swap3A_202 : i32 to index
      %swap3A_204 = arith.index_cast %mul3A_201 : i32 to index
      %swap3A_205 = tpu.vector_load %arg10[%swap3A_203, %swap3A_204] {strides = array<i32>} : memref<16x2048xf32, #tpu.memory_space<vmem>>, vector<16xf32>,
      tpu.vector_store %arg10[%swap3A_203, %swap3A_204], %get3A_110 {strides = array<i32>} : memref<16x2048xf32, #tpu.memory_space<vmem>>, vector<16xf32>,
      %mul3A_206 = arith.constant 16 : i32
      %mul3A_207 = arith.muli %scan3A_99, %mul3A_206 : i32
      %swap3A_208 = arith.constant 8 : i32
      %swap3A_209 = arith.index_cast %swap3A_208 : i32 to index
      %swap3A_210 = arith.index_cast %mul3A_207 : i32 to index
      %swap3A_211 = tpu.vector_load %arg9[%swap3A_209, %swap3A_210] {strides = array<i32>} : memref<16x2048xf32, #tpu.memory_space<vmem>>, vector<16xf32>,
      tpu.vector_store %arg9[%swap3A_209, %swap3A_210], %get3A_104 {strides = array<i32>} : memref<16x2048xf32, #tpu.memory_space<vmem>>, vector<16xf32>,
      %mul3A_212 = arith.constant 16 : i32
      %mul3A_213 = arith.muli %scan3A_99, %mul3A_212 : i32
      %swap3A_214 = arith.constant 8 : i32
      %swap3A_215 = arith.index_cast %swap3A_214 : i32 to index
      %swap3A_216 = arith.index_cast %mul3A_213 : i32 to index
      %swap3A_217 = tpu.vector_load %arg10[%swap3A_215, %swap3A_216] {strides = array<i32>} : memref<16x2048xf32, #tpu.memory_space<vmem>>, vector<16xf32>,
      tpu.vector_store %arg10[%swap3A_215, %swap3A_216], %get3A_110 {strides = array<i32>} : memref<16x2048xf32, #tpu.memory_space<vmem>>, vector<16xf32>,
      %mul3A_218 = arith.constant 16 : i32
      %mul3A_219 = arith.muli %scan3A_99, %mul3A_218 : i32
      %swap3A_220 = arith.constant 9 : i32
      %swap3A_221 = arith.index_cast %swap3A_220 : i32 to index
      %swap3A_222 = arith.index_cast %mul3A_219 : i32 to index
      %swap3A_223 = tpu.vector_load %arg9[%swap3A_221, %swap3A_222] {strides = array<i32>} : memref<16x2048xf32, #tpu.memory_space<vmem>>, vector<16xf32>,
      tpu.vector_store %arg9[%swap3A_221, %swap3A_222], %get3A_104 {strides = array<i32>} : memref<16x2048xf32, #tpu.memory_space<vmem>>, vector<16xf32>,
      %mul3A_224 = arith.constant 16 : i32
      %mul3A_225 = arith.muli %scan3A_99, %mul3A_224 : i32
      %swap3A_226 = arith.constant 9 : i32
      %swap3A_227 = arith.index_cast %swap3A_226 : i32 to index
      %swap3A_228 = arith.index_cast %mul3A_225 : i32 to index
      %swap3A_229 = tpu.vector_load %arg10[%swap3A_227, %swap3A_228] {strides = array<i32>} : memref<16x2048xf32, #tpu.memory_space<vmem>>, vector<16xf32>,
      tpu.vector_store %arg10[%swap3A_227, %swap3A_228], %get3A_110 {strides = array<i32>} : memref<16x2048xf32, #tpu.memory_space<vmem>>, vector<16xf32>,
      %mul3A_230 = arith.constant 16 : i32
      %mul3A_231 = arith.muli %scan3A_99, %mul3A_230 : i32
      %swap3A_232 = arith.constant 10 : i32
      %swap3A_233 = arith.index_cast %swap3A_232 : i32 to index
      %swap3A_234 = arith.index_cast %mul3A_231 : i32 to index
      %swap3A_235 = tpu.vector_load %arg9[%swap3A_233, %swap3A_234] {strides = array<i32>} : memref<16x2048xf32, #tpu.memory_space<vmem>>, vector<16xf32>,
      tpu.vector_store %arg9[%swap3A_233, %swap3A_234], %get3A_104 {strides = array<i32>} : memref<16x2048xf32, #tpu.memory_space<vmem>>, vector<16xf32>,
      %mul3A_236 = arith.constant 16 : i32
      %mul3A_237 = arith.muli %scan3A_99, %mul3A_236 : i32
      %swap3A_238 = arith.constant 10 : i32
      %swap3A_239 = arith.index_cast %swap3A_238 : i32 to index
      %swap3A_240 = arith.index_cast %mul3A_237 : i32 to index
      %swap3A_241 = tpu.vector_load %arg10[%swap3A_239, %swap3A_240] {strides = array<i32>} : memref<16x2048xf32, #tpu.memory_space<vmem>>, vector<16xf32>,
      tpu.vector_store %arg10[%swap3A_239, %swap3A_240], %get3A_110 {strides = array<i32>} : memref<16x2048xf32, #tpu.memory_space<vmem>>, vector<16xf32>,
      %mul3A_242 = arith.constant 16 : i32
      %mul3A_243 = arith.muli %scan3A_99, %mul3A_242 : i32
      %swap3A_244 = arith.constant 11 : i32
      %swap3A_245 = arith.index_cast %swap3A_244 : i32 to index
      %swap3A_246 = arith.index_cast %mul3A_243 : i32 to index
      %swap3A_247 = tpu.vector_load %arg9[%swap3A_245, %swap3A_246] {strides = array<i32>} : memref<16x2048xf32, #tpu.memory_space<vmem>>, vector<16xf32>,
      tpu.vector_store %arg9[%swap3A_245, %swap3A_246], %get3A_104 {strides = array<i32>} : memref<16x2048xf32, #tpu.memory_space<vmem>>, vector<16xf32>,
      %mul3A_248 = arith.constant 16 : i32
      %mul3A_249 = arith.muli %scan3A_99, %mul3A_248 : i32
      %swap3A_250 = arith.constant 11 : i32
      %swap3A_251 = arith.index_cast %swap3A_250 : i32 to index
      %swap3A_252 = arith.index_cast %mul3A_249 : i32 to index
      %swap3A_253 = tpu.vector_load %arg10[%swap3A_251, %swap3A_252] {strides = array<i32>} : memref<16x2048xf32, #tpu.memory_space<vmem>>, vector<16xf32>,
      tpu.vector_store %arg10[%swap3A_251, %swap3A_252], %get3A_110 {strides = array<i32>} : memref<16x2048xf32, #tpu.memory_space<vmem>>, vector<16xf32>,
      %mul3A_254 = arith.constant 16 : i32
      %mul3A_255 = arith.muli %scan3A_99, %mul3A_254 : i32
      %swap3A_256 = arith.constant 12 : i32
      %swap3A_257 = arith.index_cast %swap3A_256 : i32 to index
      %swap3A_258 = arith.index_cast %mul3A_255 : i32 to index
      %swap3A_259 = tpu.vector_load %arg9[%swap3A_257, %swap3A_258] {strides = array<i32>} : memref<16x2048xf32, #tpu.memory_space<vmem>>, vector<16xf32>,
      tpu.vector_store %arg9[%swap3A_257, %swap3A_258], %get3A_104 {strides = array<i32>} : memref<16x2048xf32, #tpu.memory_space<vmem>>, vector<16xf32>,
      %mul3A_260 = arith.constant 16 : i32
      %mul3A_261 = arith.muli %scan3A_99, %mul3A_260 : i32
      %swap3A_262 = arith.constant 12 : i32
      %swap3A_263 = arith.index_cast %swap3A_262 : i32 to index
      %swap3A_264 = arith.index_cast %mul3A_261 : i32 to index
      %swap3A_265 = tpu.vector_load %arg10[%swap3A_263, %swap3A_264] {strides = array<i32>} : memref<16x2048xf32, #tpu.memory_space<vmem>>, vector<16xf32>,
      tpu.vector_store %arg10[%swap3A_263, %swap3A_264], %get3A_110 {strides = array<i32>} : memref<16x2048xf32, #tpu.memory_space<vmem>>, vector<16xf32>,
      %mul3A_266 = arith.constant 16 : i32
      %mul3A_267 = arith.muli %scan3A_99, %mul3A_266 : i32
      %swap3A_268 = arith.constant 13 : i32
      %swap3A_269 = arith.index_cast %swap3A_268 : i32 to index
      %swap3A_270 = arith.index_cast %mul3A_267 : i32 to index
      %swap3A_271 = tpu.vector_load %arg9[%swap3A_269, %swap3A_270] {strides = array<i32>} : memref<16x2048xf32, #tpu.memory_space<vmem>>, vector<16xf32>,
      tpu.vector_store %arg9[%swap3A_269, %swap3A_270], %get3A_104 {strides = array<i32>} : memref<16x2048xf32, #tpu.memory_space<vmem>>, vector<16xf32>,
      %mul3A_272 = arith.constant 16 : i32
      %mul3A_273 = arith.muli %scan3A_99, %mul3A_272 : i32
      %swap3A_274 = arith.constant 13 : i32
      %swap3A_275 = arith.index_cast %swap3A_274 : i32 to index
      %swap3A_276 = arith.index_cast %mul3A_273 : i32 to index
      %swap3A_277 = tpu.vector_load %arg10[%swap3A_275, %swap3A_276] {strides = array<i32>} : memref<16x2048xf32, #tpu.memory_space<vmem>>, vector<16xf32>,
      tpu.vector_store %arg10[%swap3A_275, %swap3A_276], %get3A_110 {strides = array<i32>} : memref<16x2048xf32, #tpu.memory_space<vmem>>, vector<16xf32>,
      %mul3A_278 = arith.constant 16 : i32
      %mul3A_279 = arith.muli %scan3A_99, %mul3A_278 : i32
      %swap3A_280 = arith.constant 14 : i32
      %swap3A_281 = arith.index_cast %swap3A_280 : i32 to index
      %swap3A_282 = arith.index_cast %mul3A_279 : i32 to index
      %swap3A_283 = tpu.vector_load %arg9[%swap3A_281, %swap3A_282] {strides = array<i32>} : memref<16x2048xf32, #tpu.memory_space<vmem>>, vector<16xf32>,
      tpu.vector_store %arg9[%swap3A_281, %swap3A_282], %get3A_104 {strides = array<i32>} : memref<16x2048xf32, #tpu.memory_space<vmem>>, vector<16xf32>,
      %mul3A_284 = arith.constant 16 : i32
      %mul3A_285 = arith.muli %scan3A_99, %mul3A_284 : i32
      %swap3A_286 = arith.constant 14 : i32
      %swap3A_287 = arith.index_cast %swap3A_286 : i32 to index
      %swap3A_288 = arith.index_cast %mul3A_285 : i32 to index
      %swap3A_289 = tpu.vector_load %arg10[%swap3A_287, %swap3A_288] {strides = array<i32>} : memref<16x2048xf32, #tpu.memory_space<vmem>>, vector<16xf32>,
      tpu.vector_store %arg10[%swap3A_287, %swap3A_288], %get3A_110 {strides = array<i32>} : memref<16x2048xf32, #tpu.memory_space<vmem>>, vector<16xf32>,
      %mul3A_290 = arith.constant 16 : i32
      %mul3A_291 = arith.muli %scan3A_99, %mul3A_290 : i32
      %swap3A_292 = arith.constant 15 : i32
      %swap3A_293 = arith.index_cast %swap3A_292 : i32 to index
      %swap3A_294 = arith.index_cast %mul3A_291 : i32 to index
      %swap3A_295 = tpu.vector_load %arg9[%swap3A_293, %swap3A_294] {strides = array<i32>} : memref<16x2048xf32, #tpu.memory_space<vmem>>, vector<16xf32>,
      tpu.vector_store %arg9[%swap3A_293, %swap3A_294], %get3A_104 {strides = array<i32>} : memref<16x2048xf32, #tpu.memory_space<vmem>>, vector<16xf32>,
      %mul3A_296 = arith.constant 16 : i32
      %mul3A_297 = arith.muli %scan3A_99, %mul3A_296 : i32
      %swap3A_298 = arith.constant 15 : i32
      %swap3A_299 = arith.index_cast %swap3A_298 : i32 to index
      %swap3A_300 = arith.index_cast %mul3A_297 : i32 to index
      %swap3A_301 = tpu.vector_load %arg10[%swap3A_299, %swap3A_300] {strides = array<i32>} : memref<16x2048xf32, #tpu.memory_space<vmem>>, vector<16xf32>,
      tpu.vector_store %arg10[%swap3A_299, %swap3A_300], %get3A_110 {strides = array<i32>} : memref<16x2048xf32, #tpu.memory_space<vmem>>, vector<16xf32>,
    }
    %scan3A_8 = arith.constant 128 : i32
    %dma_wait3A = tpu.memref_slice %arg2[%mul3A_2] : memref<32768xi32, #tpu.memory_space<hbm>> -> memref<1024xi32, #tpu.memory_space<hbm>>
    %dma_wait3A_9 = tpu.memref_slice %arg2[%mul3A_2] : memref<32768xi32, #tpu.memory_space<hbm>> -> memref<1024xi32, #tpu.memory_space<hbm>>
    tpu.wait_dma2 semaphore(%arg12 : memref<!tpu.dma_semaphore, #tpu.memory_space<semaphore_mem>>) src(%dma_wait3A_9 : memref<1024xi32, #tpu.memory_space<hbm>>) dst(%arg5 : memref<1024xi32, #tpu.memory_space<vmem>>)
    %iota3A = tpu.iota {dimensions = array<i32: 0>} : vector<16xi32>
    %scan3A_10 = arith.constant 0 : i32
    %scan3A_11 = arith.constant 0 : i32
    %scan3A_12 = arith.constant 0 : i32
    %scan3A_13 = arith.constant 0 : i32
    %scan3A_14 = arith.constant 0 : i32
    %scan3A_15 = arith.constant 8 : i32
    %scan3A_16 = arith.addi %scan3A_14, %scan3A_15 : i32
    %scan3A_17 = arith.constant 1 : i32
    %scan3A_18:4 = scf.for %scan3A_99 = %scan3A_14 to %scan3A_16 step %scan3A_17 iter_args(%scan3A_100 = %scan3A_10, %scan3A_101 = %scan3A_11, %scan3A_102 = %scan3A_12, %scan3A_103 = %scan3A_13) -> (i32, i32, i32, i32)  : i32 {
      %mul3A_104 = arith.constant 8 : i32
      %mul3A_105 = arith.muli %scan3A_99, %mul3A_104 : i32
      %add3A_106 = arith.constant 1 : i32
      %add3A_107 = arith.addi %scan3A_99, %add3A_106 : i32
      %mul3A_108 = arith.constant 8 : i32
      %mul3A_109 = arith.muli %add3A_107, %mul3A_108 : i32
      %while3A_110 = arith.subi %mul3A_109, %mul3A_105 : i32
      %while3A_111 = arith.addi %mul3A_105, %while3A_110 : i32
      %while3A_112 = arith.constant 1 : i32
      %while3A_113 = arith.divsi %while3A_110, %while3A_112 : i32
      %while3A_114 = arith.muli %while3A_113, %while3A_112 : i32
      %while3A_115 = arith.addi %mul3A_105, %while3A_114 : i32
      %while3A_116 = arith.constant 1 : i32
      %while3A_117:2 = scf.for %while3A_186 = %mul3A_105 to %while3A_115 step %while3A_116 iter_args(%while3A_187 = %scan3A_100, %while3A_188 = %scan3A_101) -> (i32, i32)  : i32 {
        %mul3A_189 = arith.constant 16 : i32
        %mul3A_190 = arith.muli %while3A_186, %mul3A_189 : i32
        %get3A = arith.index_cast %mul3A_190 : i32 to index
        %get3A_191 = tpu.vector_load %arg5[%get3A] {strides = array<i32>} : memref<1024xi32, #tpu.memory_space<vmem>>, vector<16xi32>,
        %mul3A_192 = arith.constant 16 : i32
        %mul3A_193 = arith.muli %while3A_186, %mul3A_192 : i32
        %add3A_194 = arith.addi %mul3A_2, %mul3A_193 : i32
        %add3A_195 = vector.broadcast %add3A_194 : i32 to vector<16xi32>
        %add3A_196 = arith.addi %iota3A, %add3A_195 : vector<16xi32>
        %eq3A = arith.constant 1 : i32
        %eq3A_197 = vector.broadcast %eq3A : i32 to vector<16xi32>
        %eq3A_198 = arith.cmpi eq, %get3A_191, %eq3A_197 : vector<16xi32>
        %eq3A_199 = arith.constant 0 : i32
        %eq3A_200 = vector.broadcast %eq3A_199 : i32 to vector<16xi32>
        %eq3A_201 = arith.cmpi eq, %get3A_191, %eq3A_200 : vector<16xi32>
        %jit3A_202 = arith.constant 1 : i32
        %jit3A_203 = arith.constant 0 : i32
        %broadcast_in_dim3A = vector.broadcast %jit3A_202 : i32 to vector<16xi32>
        %broadcast_in_dim3A_204 = vector.broadcast %jit3A_203 : i32 to vector<16xi32>
        %select_n3A_205 = arith.select %eq3A_198, %broadcast_in_dim3A, %broadcast_in_dim3A_204 : vector<16xi1>, vector<16xi32>
        %broadcast_in_dim3A_206 = arith.constant true
        %broadcast_in_dim3A_207 = vector.broadcast %broadcast_in_dim3A_206 : i1 to vector<16xi1>
        %masked_cumsum3A = tpu.scan <sum>, %select_n3A_205 masked %broadcast_in_dim3A_207 : vector<16xi32>, vector<16xi1> -> vector<16xi32>
        %sub3A_208 = arith.subi %masked_cumsum3A, %select_n3A_205 : vector<16xi32>
        %add3A_209 = vector.broadcast %while3A_188 : i32 to vector<16xi32>
        %add3A_210 = arith.addi %add3A_209, %sub3A_208 : vector<16xi32>
        %jit3A_211 = arith.constant 1039 : i32
        %broadcast_in_dim3A_212 = vector.broadcast %jit3A_211 : i32 to vector<16xi32>
        %select_n3A_213 = arith.select %eq3A_198, %add3A_210, %broadcast_in_dim3A_212 : vector<16xi1>, vector<16xi32>
        %sub3A_214 = arith.subi %iota3A, %sub3A_208 : vector<16xi32>
        %add3A_215 = vector.broadcast %while3A_187 : i32 to vector<16xi32>
        %add3A_216 = arith.addi %add3A_215, %sub3A_214 : vector<16xi32>
        %jit3A_217 = arith.constant 1039 : i32
        %broadcast_in_dim3A_218 = vector.broadcast %jit3A_217 : i32 to vector<16xi32>
        %select_n3A_219 = arith.select %eq3A_201, %add3A_216, %broadcast_in_dim3A_218 : vector<16xi1>, vector<16xi32>
        tpu.vector_store_idx %arg8[%select_n3A_213], %add3A_196 : memref<1040xi32, #tpu.memory_space<vmem>>[vector<16xi32>], vector<16xi32>,
        tpu.vector_store_idx %arg7[%select_n3A_219], %add3A_196 : memref<1040xi32, #tpu.memory_space<vmem>>[vector<16xi32>], vector<16xi32>,
        %reduce_sum3A = arith.constant true
        %reduce_sum3A_220 = vector.broadcast %reduce_sum3A : i1 to vector<16xi1>
        %reduce_sum3A_221 = tpu.scan <sum>, %select_n3A_205 masked %reduce_sum3A_220 : vector<16xi32>, vector<16xi1> -> vector<16xi32>
        %reduce_sum3A_222 = vector.extract %reduce_sum3A_221[15] : i32 from vector<16xi32>
        %sub3A_223 = arith.constant 16 : i32
        %sub3A_224 = arith.subi %sub3A_223, %reduce_sum3A_222 : i32
        %add3A_225 = arith.addi %while3A_187, %sub3A_224 : i32
        %add3A_226 = arith.addi %while3A_188, %reduce_sum3A_222 : i32
        scf.yield %add3A_225, %add3A_226 : i32, i32
      }
      %while3A_118 = arith.constant 1 : i32
      %while3A_119:2 = scf.for %while3A_186 = %while3A_115 to %while3A_111 step %while3A_118 iter_args(%while3A_187 = %while3A_117#0, %while3A_188 = %while3A_117#1) -> (i32, i32)  : i32 {
        %mul3A_189 = arith.constant 16 : i32
        %mul3A_190 = arith.muli %while3A_186, %mul3A_189 : i32
        %get3A = arith.index_cast %mul3A_190 : i32 to index
        %get3A_191 = tpu.vector_load %arg5[%get3A] {strides = array<i32>} : memref<1024xi32, #tpu.memory_space<vmem>>, vector<16xi32>,
        %mul3A_192 = arith.constant 16 : i32
        %mul3A_193 = arith.muli %while3A_186, %mul3A_192 : i32
        %add3A_194 = arith.addi %mul3A_2, %mul3A_193 : i32
        %add3A_195 = vector.broadcast %add3A_194 : i32 to vector<16xi32>
        %add3A_196 = arith.addi %iota3A, %add3A_195 : vector<16xi32>
        %eq3A = arith.constant 1 : i32
        %eq3A_197 = vector.broadcast %eq3A : i32 to vector<16xi32>
        %eq3A_198 = arith.cmpi eq, %get3A_191, %eq3A_197 : vector<16xi32>
        %eq3A_199 = arith.constant 0 : i32
        %eq3A_200 = vector.broadcast %eq3A_199 : i32 to vector<16xi32>
        %eq3A_201 = arith.cmpi eq, %get3A_191, %eq3A_200 : vector<16xi32>
        %jit3A_202 = arith.constant 1 : i32
        %jit3A_203 = arith.constant 0 : i32
        %broadcast_in_dim3A = vector.broadcast %jit3A_202 : i32 to vector<16xi32>
        %broadcast_in_dim3A_204 = vector.broadcast %jit3A_203 : i32 to vector<16xi32>
        %select_n3A_205 = arith.select %eq3A_198, %broadcast_in_dim3A, %broadcast_in_dim3A_204 : vector<16xi1>, vector<16xi32>
        %broadcast_in_dim3A_206 = arith.constant true
        %broadcast_in_dim3A_207 = vector.broadcast %broadcast_in_dim3A_206 : i1 to vector<16xi1>
        %masked_cumsum3A = tpu.scan <sum>, %select_n3A_205 masked %broadcast_in_dim3A_207 : vector<16xi32>, vector<16xi1> -> vector<16xi32>
        %sub3A_208 = arith.subi %masked_cumsum3A, %select_n3A_205 : vector<16xi32>
        %add3A_209 = vector.broadcast %while3A_188 : i32 to vector<16xi32>
        %add3A_210 = arith.addi %add3A_209, %sub3A_208 : vector<16xi32>
        %jit3A_211 = arith.constant 1039 : i32
        %broadcast_in_dim3A_212 = vector.broadcast %jit3A_211 : i32 to vector<16xi32>
        %select_n3A_213 = arith.select %eq3A_198, %add3A_210, %broadcast_in_dim3A_212 : vector<16xi1>, vector<16xi32>
        %sub3A_214 = arith.subi %iota3A, %sub3A_208 : vector<16xi32>
        %add3A_215 = vector.broadcast %while3A_187 : i32 to vector<16xi32>
        %add3A_216 = arith.addi %add3A_215, %sub3A_214 : vector<16xi32>
        %jit3A_217 = arith.constant 1039 : i32
        %broadcast_in_dim3A_218 = vector.broadcast %jit3A_217 : i32 to vector<16xi32>
        %select_n3A_219 = arith.select %eq3A_201, %add3A_216, %broadcast_in_dim3A_218 : vector<16xi1>, vector<16xi32>
        tpu.vector_store_idx %arg8[%select_n3A_213], %add3A_196 : memref<1040xi32, #tpu.memory_space<vmem>>[vector<16xi32>], vector<16xi32>,
        tpu.vector_store_idx %arg7[%select_n3A_219], %add3A_196 : memref<1040xi32, #tpu.memory_space<vmem>>[vector<16xi32>], vector<16xi32>,
        %reduce_sum3A = arith.constant true
        %reduce_sum3A_220 = vector.broadcast %reduce_sum3A : i1 to vector<16xi1>
        %reduce_sum3A_221 = tpu.scan <sum>, %select_n3A_205 masked %reduce_sum3A_220 : vector<16xi32>, vector<16xi1> -> vector<16xi32>
        %reduce_sum3A_222 = vector.extract %reduce_sum3A_221[15] : i32 from vector<16xi32>
        %sub3A_223 = arith.constant 16 : i32
        %sub3A_224 = arith.subi %sub3A_223, %reduce_sum3A_222 : i32
        %add3A_225 = arith.addi %while3A_187, %sub3A_224 : i32
        %add3A_226 = arith.addi %while3A_188, %reduce_sum3A_222 : i32
        scf.yield %add3A_225, %add3A_226 : i32, i32
      }
      %jit3A_120 = arith.constant 16 : i32
      %div3A_121 = arith.divsi %while3A_119#0, %jit3A_120 : i32
      %sign3A_122 = arith.constant 0 : i32
      %sign3A_123 = arith.cmpi sgt, %while3A_119#0, %sign3A_122 : i32
      %sign3A_124 = arith.extui %sign3A_123 : i1 to i32
      %sign3A_125 = arith.constant 0 : i32
      %sign3A_126 = arith.cmpi slt, %while3A_119#0, %sign3A_125 : i32
      %sign3A_127 = arith.extui %sign3A_126 : i1 to i32
      %sign3A_128 = arith.subi %sign3A_124, %sign3A_127 : i32
      %sign3A_129 = arith.constant 0 : i32
      %sign3A_130 = arith.cmpi sgt, %jit3A_120, %sign3A_129 : i32
      %sign3A_131 = arith.extui %sign3A_130 : i1 to i32
      %sign3A_132 = arith.constant 0 : i32
      %sign3A_133 = arith.cmpi slt, %jit3A_120, %sign3A_132 : i32
      %sign3A_134 = arith.extui %sign3A_133 : i1 to i32
      %sign3A_135 = arith.subi %sign3A_131, %sign3A_134 : i32
      %ne3A_136 = arith.cmpi ne, %sign3A_128, %sign3A_135 : i32
      %rem3A_137 = arith.remsi %while3A_119#0, %jit3A_120 : i32
      %ne3A_138 = arith.constant 0 : i32
      %ne3A_139 = arith.cmpi ne, %rem3A_137, %ne3A_138 : i32
      %and3A_140 = arith.andi %ne3A_136, %ne3A_139 : i1
      %sub3A_141 = arith.constant 1 : i32
      %sub3A_142 = arith.subi %div3A_121, %sub3A_141 : i32
      %select_n3A_143 = arith.select %and3A_140, %sub3A_142, %div3A_121 : i32
      %jit3A_144 = arith.constant 16 : i32
      %div3A_145 = arith.divsi %while3A_119#1, %jit3A_144 : i32
      %sign3A_146 = arith.constant 0 : i32
      %sign3A_147 = arith.cmpi sgt, %while3A_119#1, %sign3A_146 : i32
      %sign3A_148 = arith.extui %sign3A_147 : i1 to i32
      %sign3A_149 = arith.constant 0 : i32
      %sign3A_150 = arith.cmpi slt, %while3A_119#1, %sign3A_149 : i32
      %sign3A_151 = arith.extui %sign3A_150 : i1 to i32
      %sign3A_152 = arith.subi %sign3A_148, %sign3A_151 : i32
      %sign3A_153 = arith.constant 0 : i32
      %sign3A_154 = arith.cmpi sgt, %jit3A_144, %sign3A_153 : i32
      %sign3A_155 = arith.extui %sign3A_154 : i1 to i32
      %sign3A_156 = arith.constant 0 : i32
      %sign3A_157 = arith.cmpi slt, %jit3A_144, %sign3A_156 : i32
      %sign3A_158 = arith.extui %sign3A_157 : i1 to i32
      %sign3A_159 = arith.subi %sign3A_155, %sign3A_158 : i32
      %ne3A_160 = arith.cmpi ne, %sign3A_152, %sign3A_159 : i32
      %rem3A_161 = arith.remsi %while3A_119#1, %jit3A_144 : i32
      %ne3A_162 = arith.constant 0 : i32
      %ne3A_163 = arith.cmpi ne, %rem3A_161, %ne3A_162 : i32
      %and3A_164 = arith.andi %ne3A_160, %ne3A_163 : i1
      %sub3A_165 = arith.constant 1 : i32
      %sub3A_166 = arith.subi %div3A_145, %sub3A_165 : i32
      %select_n3A_167 = arith.select %and3A_164, %sub3A_166, %div3A_145 : i32
      %while3A_168 = arith.constant 0 : i32
      %while3A_169 = arith.subi %select_n3A_143, %scan3A_102 : i32
      %while3A_170 = arith.addi %scan3A_102, %while3A_169 : i32
      %while3A_171 = arith.constant 1 : i32
      %while3A_172 = arith.divsi %while3A_169, %while3A_171 : i32
      %while3A_173 = arith.muli %while3A_172, %while3A_171 : i32
      %while3A_174 = arith.addi %scan3A_102, %while3A_173 : i32
      %while3A_175 = arith.constant 1 : i32
      scf.for %while3A_186 = %scan3A_102 to %while3A_174 step %while3A_175  : i32 {
        %mul3A_187 = arith.constant 16 : i32
        %mul3A_188 = arith.muli %while3A_186, %mul3A_187 : i32
        %get3A = arith.index_cast %mul3A_188 : i32 to index
        %get3A_189 = tpu.vector_load %arg7[%get3A] {strides = array<i32>} : memref<1040xi32, #tpu.memory_space<vmem>>, vector<16xi32>,
        %dma_start3A_190 = arith.constant 0 : i32
        %dma_start3A_191 = arith.constant 0 : i32
        %dma_start3A_192 = tpu.memref_slice %arg4[%dma_start3A_190, %dma_start3A_191] : memref<32768x2048xf32, #tpu.memory_space<hbm>> -> memref<32768x2048xf32, #tpu.memory_space<hbm>>
        tpu.enqueue_indirect_dma source(%arg9 : memref<16x2048xf32, #tpu.memory_space<vmem>>) target(%dma_start3A_192 : memref<32768x2048xf32, #tpu.memory_space<hbm>>) offsets(%get3A_189 : vector<16xi32>) semaphore(%arg13 : memref<!tpu.dma_semaphore, #tpu.memory_space<semaphore_mem>>)
      }
      %while3A_176 = arith.constant 1 : i32
      scf.for %while3A_186 = %while3A_174 to %while3A_170 step %while3A_176  : i32 {
        %mul3A_187 = arith.constant 16 : i32
        %mul3A_188 = arith.muli %while3A_186, %mul3A_187 : i32
        %get3A = arith.index_cast %mul3A_188 : i32 to index
        %get3A_189 = tpu.vector_load %arg7[%get3A] {strides = array<i32>} : memref<1040xi32, #tpu.memory_space<vmem>>, vector<16xi32>,
        %dma_start3A_190 = arith.constant 0 : i32
        %dma_start3A_191 = arith.constant 0 : i32
        %dma_start3A_192 = tpu.memref_slice %arg4[%dma_start3A_190, %dma_start3A_191] : memref<32768x2048xf32, #tpu.memory_space<hbm>> -> memref<32768x2048xf32, #tpu.memory_space<hbm>>
        tpu.enqueue_indirect_dma source(%arg9 : memref<16x2048xf32, #tpu.memory_space<vmem>>) target(%dma_start3A_192 : memref<32768x2048xf32, #tpu.memory_space<hbm>>) offsets(%get3A_189 : vector<16xi32>) semaphore(%arg13 : memref<!tpu.dma_semaphore, #tpu.memory_space<semaphore_mem>>)
      }
      %while3A_177 = arith.constant 0 : i32
      %while3A_178 = arith.subi %select_n3A_167, %scan3A_103 : i32
      %while3A_179 = arith.addi %scan3A_103, %while3A_178 : i32
      %while3A_180 = arith.constant 1 : i32
      %while3A_181 = arith.divsi %while3A_178, %while3A_180 : i32
      %while3A_182 = arith.muli %while3A_181, %while3A_180 : i32
      %while3A_183 = arith.addi %scan3A_103, %while3A_182 : i32
      %while3A_184 = arith.constant 1 : i32
      scf.for %while3A_186 = %scan3A_103 to %while3A_183 step %while3A_184  : i32 {
        %mul3A_187 = arith.constant 16 : i32
        %mul3A_188 = arith.muli %while3A_186, %mul3A_187 : i32
        %get3A = arith.index_cast %mul3A_188 : i32 to index
        %get3A_189 = tpu.vector_load %arg8[%get3A] {strides = array<i32>} : memref<1040xi32, #tpu.memory_space<vmem>>, vector<16xi32>,
        %dma_start3A_190 = arith.constant 0 : i32
        %dma_start3A_191 = arith.constant 0 : i32
        %dma_start3A_192 = tpu.memref_slice %arg4[%dma_start3A_190, %dma_start3A_191] : memref<32768x2048xf32, #tpu.memory_space<hbm>> -> memref<32768x2048xf32, #tpu.memory_space<hbm>>
        tpu.enqueue_indirect_dma source(%arg10 : memref<16x2048xf32, #tpu.memory_space<vmem>>) target(%dma_start3A_192 : memref<32768x2048xf32, #tpu.memory_space<hbm>>) offsets(%get3A_189 : vector<16xi32>) semaphore(%arg13 : memref<!tpu.dma_semaphore, #tpu.memory_space<semaphore_mem>>)
      }
      %while3A_185 = arith.constant 1 : i32
      scf.for %while3A_186 = %while3A_183 to %while3A_179 step %while3A_185  : i32 {
        %mul3A_187 = arith.constant 16 : i32
        %mul3A_188 = arith.muli %while3A_186, %mul3A_187 : i32
        %get3A = arith.index_cast %mul3A_188 : i32 to index
        %get3A_189 = tpu.vector_load %arg8[%get3A] {strides = array<i32>} : memref<1040xi32, #tpu.memory_space<vmem>>, vector<16xi32>,
        %dma_start3A_190 = arith.constant 0 : i32
        %dma_start3A_191 = arith.constant 0 : i32
        %dma_start3A_192 = tpu.memref_slice %arg4[%dma_start3A_190, %dma_start3A_191] : memref<32768x2048xf32, #tpu.memory_space<hbm>> -> memref<32768x2048xf32, #tpu.memory_space<hbm>>
        tpu.enqueue_indirect_dma source(%arg10 : memref<16x2048xf32, #tpu.memory_space<vmem>>) target(%dma_start3A_192 : memref<32768x2048xf32, #tpu.memory_space<hbm>>) offsets(%get3A_189 : vector<16xi32>) semaphore(%arg13 : memref<!tpu.dma_semaphore, #tpu.memory_space<semaphore_mem>>)
      }
      scf.yield %while3A_119#0, %while3A_119#1, %select_n3A_143, %select_n3A_167 : i32, i32, i32, i32
    }
    %scan3A_19 = arith.constant 8 : i32
    %gt3A = arith.constant 0 : i32
    %gt3A_20 = arith.cmpi sgt, %scan3A_18#0, %gt3A : i32
    %convert_element_type3A = arith.extui %gt3A_20 : i1 to i32
    %cond3A = arith.constant 0 : i32
    %cond3A_21 = arith.cmpi ne, %convert_element_type3A, %cond3A : i32
    scf.if %cond3A_21 {
      %sub3A_99 = arith.constant 1 : i32
      %sub3A_100 = arith.subi %scan3A_18#0, %sub3A_99 : i32
      %broadcast_in_dim3A = vector.broadcast %sub3A_100 : i32 to vector<16xi32>
      %gather3A = tpu.vector_load_idx %arg7[%broadcast_in_dim3A] : memref<1040xi32, #tpu.memory_space<vmem>>[vector<16xi32>], vector<16xi32>,
      %swap3A = arith.index_cast %scan3A_18#0 : i32 to index
      %swap3A_101 = tpu.vector_load %arg7[%swap3A] {strides = array<i32>} : memref<1040xi32, #tpu.memory_space<vmem>>, vector<16xi32>,
      tpu.vector_store %arg7[%swap3A], %gather3A {strides = array<i32>} : memref<1040xi32, #tpu.memory_space<vmem>>, vector<16xi32>,
    } else {
    }
    %gt3A_22 = arith.constant 0 : i32
    %gt3A_23 = arith.cmpi sgt, %scan3A_18#1, %gt3A_22 : i32
    %convert_element_type3A_24 = arith.extui %gt3A_23 : i1 to i32
    %cond3A_25 = arith.constant 0 : i32
    %cond3A_26 = arith.cmpi ne, %convert_element_type3A_24, %cond3A_25 : i32
    scf.if %cond3A_26 {
      %sub3A_99 = arith.constant 1 : i32
      %sub3A_100 = arith.subi %scan3A_18#1, %sub3A_99 : i32
      %broadcast_in_dim3A = vector.broadcast %sub3A_100 : i32 to vector<16xi32>
      %gather3A = tpu.vector_load_idx %arg8[%broadcast_in_dim3A] : memref<1040xi32, #tpu.memory_space<vmem>>[vector<16xi32>], vector<16xi32>,
      %swap3A = arith.index_cast %scan3A_18#1 : i32 to index
      %swap3A_101 = tpu.vector_load %arg8[%swap3A] {strides = array<i32>} : memref<1040xi32, #tpu.memory_space<vmem>>, vector<16xi32>,
      tpu.vector_store %arg8[%swap3A], %gather3A {strides = array<i32>} : memref<1040xi32, #tpu.memory_space<vmem>>, vector<16xi32>,
    } else {
    }
    %add3A_27 = arith.constant 15 : i32
    %add3A_28 = arith.addi %scan3A_18#0, %add3A_27 : i32
    %jit3A = arith.constant 16 : i32
    %div3A = arith.divsi %add3A_28, %jit3A : i32
    %sign3A = arith.constant 0 : i32
    %sign3A_29 = arith.cmpi sgt, %add3A_28, %sign3A : i32
    %sign3A_30 = arith.extui %sign3A_29 : i1 to i32
    %sign3A_31 = arith.constant 0 : i32
    %sign3A_32 = arith.cmpi slt, %add3A_28, %sign3A_31 : i32
    %sign3A_33 = arith.extui %sign3A_32 : i1 to i32
    %sign3A_34 = arith.subi %sign3A_30, %sign3A_33 : i32
    %sign3A_35 = arith.constant 0 : i32
    %sign3A_36 = arith.cmpi sgt, %jit3A, %sign3A_35 : i32
    %sign3A_37 = arith.extui %sign3A_36 : i1 to i32
    %sign3A_38 = arith.constant 0 : i32
    %sign3A_39 = arith.cmpi slt, %jit3A, %sign3A_38 : i32
    %sign3A_40 = arith.extui %sign3A_39 : i1 to i32
    %sign3A_41 = arith.subi %sign3A_37, %sign3A_40 : i32
    %ne3A = arith.cmpi ne, %sign3A_34, %sign3A_41 : i32
    %rem3A = arith.remsi %add3A_28, %jit3A : i32
    %ne3A_42 = arith.constant 0 : i32
    %ne3A_43 = arith.cmpi ne, %rem3A, %ne3A_42 : i32
    %and3A = arith.andi %ne3A, %ne3A_43 : i1
    %sub3A = arith.constant 1 : i32
    %sub3A_44 = arith.subi %div3A, %sub3A : i32
    %select_n3A = arith.select %and3A, %sub3A_44, %div3A : i32
    %add3A_45 = arith.constant 15 : i32
    %add3A_46 = arith.addi %scan3A_18#1, %add3A_45 : i32
    %jit3A_47 = arith.constant 16 : i32
    %div3A_48 = arith.divsi %add3A_46, %jit3A_47 : i32
    %sign3A_49 = arith.constant 0 : i32
    %sign3A_50 = arith.cmpi sgt, %add3A_46, %sign3A_49 : i32
    %sign3A_51 = arith.extui %sign3A_50 : i1 to i32
    %sign3A_52 = arith.constant 0 : i32
    %sign3A_53 = arith.cmpi slt, %add3A_46, %sign3A_52 : i32
    %sign3A_54 = arith.extui %sign3A_53 : i1 to i32
    %sign3A_55 = arith.subi %sign3A_51, %sign3A_54 : i32
    %sign3A_56 = arith.constant 0 : i32
    %sign3A_57 = arith.cmpi sgt, %jit3A_47, %sign3A_56 : i32
    %sign3A_58 = arith.extui %sign3A_57 : i1 to i32
    %sign3A_59 = arith.constant 0 : i32
    %sign3A_60 = arith.cmpi slt, %jit3A_47, %sign3A_59 : i32
    %sign3A_61 = arith.extui %sign3A_60 : i1 to i32
    %sign3A_62 = arith.subi %sign3A_58, %sign3A_61 : i32
    %ne3A_63 = arith.cmpi ne, %sign3A_55, %sign3A_62 : i32
    %rem3A_64 = arith.remsi %add3A_46, %jit3A_47 : i32
    %ne3A_65 = arith.constant 0 : i32
    %ne3A_66 = arith.cmpi ne, %rem3A_64, %ne3A_65 : i32
    %and3A_67 = arith.andi %ne3A_63, %ne3A_66 : i1
    %sub3A_68 = arith.constant 1 : i32
    %sub3A_69 = arith.subi %div3A_48, %sub3A_68 : i32
    %select_n3A_70 = arith.select %and3A_67, %sub3A_69, %div3A_48 : i32
    %while3A = arith.constant 0 : i32
    %while3A_71 = arith.subi %select_n3A, %scan3A_18#2 : i32
    %while3A_72 = arith.addi %scan3A_18#2, %while3A_71 : i32
    %while3A_73 = arith.constant 1 : i32
    %while3A_74 = arith.divsi %while3A_71, %while3A_73 : i32
    %while3A_75 = arith.muli %while3A_74, %while3A_73 : i32
    %while3A_76 = arith.addi %scan3A_18#2, %while3A_75 : i32
    %while3A_77 = arith.constant 1 : i32
    scf.for %while3A_99 = %scan3A_18#2 to %while3A_76 step %while3A_77  : i32 {
      %mul3A_100 = arith.constant 16 : i32
      %mul3A_101 = arith.muli %while3A_99, %mul3A_100 : i32
      %get3A = arith.index_cast %mul3A_101 : i32 to index
      %get3A_102 = tpu.vector_load %arg7[%get3A] {strides = array<i32>} : memref<1040xi32, #tpu.memory_space<vmem>>, vector<16xi32>,
      %dma_start3A_103 = arith.constant 0 : i32
      %dma_start3A_104 = arith.constant 0 : i32
      %dma_start3A_105 = tpu.memref_slice %arg4[%dma_start3A_103, %dma_start3A_104] : memref<32768x2048xf32, #tpu.memory_space<hbm>> -> memref<32768x2048xf32, #tpu.memory_space<hbm>>
      tpu.enqueue_indirect_dma source(%arg9 : memref<16x2048xf32, #tpu.memory_space<vmem>>) target(%dma_start3A_105 : memref<32768x2048xf32, #tpu.memory_space<hbm>>) offsets(%get3A_102 : vector<16xi32>) semaphore(%arg13 : memref<!tpu.dma_semaphore, #tpu.memory_space<semaphore_mem>>)
    }
    %while3A_78 = arith.constant 1 : i32
    scf.for %while3A_99 = %while3A_76 to %while3A_72 step %while3A_78  : i32 {
      %mul3A_100 = arith.constant 16 : i32
      %mul3A_101 = arith.muli %while3A_99, %mul3A_100 : i32
      %get3A = arith.index_cast %mul3A_101 : i32 to index
      %get3A_102 = tpu.vector_load %arg7[%get3A] {strides = array<i32>} : memref<1040xi32, #tpu.memory_space<vmem>>, vector<16xi32>,
      %dma_start3A_103 = arith.constant 0 : i32
      %dma_start3A_104 = arith.constant 0 : i32
      %dma_start3A_105 = tpu.memref_slice %arg4[%dma_start3A_103, %dma_start3A_104] : memref<32768x2048xf32, #tpu.memory_space<hbm>> -> memref<32768x2048xf32, #tpu.memory_space<hbm>>
      tpu.enqueue_indirect_dma source(%arg9 : memref<16x2048xf32, #tpu.memory_space<vmem>>) target(%dma_start3A_105 : memref<32768x2048xf32, #tpu.memory_space<hbm>>) offsets(%get3A_102 : vector<16xi32>) semaphore(%arg13 : memref<!tpu.dma_semaphore, #tpu.memory_space<semaphore_mem>>)
    }
    %while3A_79 = arith.constant 0 : i32
    %while3A_80 = arith.subi %select_n3A_70, %scan3A_18#3 : i32
    %while3A_81 = arith.addi %scan3A_18#3, %while3A_80 : i32
    %while3A_82 = arith.constant 1 : i32
    %while3A_83 = arith.divsi %while3A_80, %while3A_82 : i32
    %while3A_84 = arith.muli %while3A_83, %while3A_82 : i32
    %while3A_85 = arith.addi %scan3A_18#3, %while3A_84 : i32
    %while3A_86 = arith.constant 1 : i32
    scf.for %while3A_99 = %scan3A_18#3 to %while3A_85 step %while3A_86  : i32 {
      %mul3A_100 = arith.constant 16 : i32
      %mul3A_101 = arith.muli %while3A_99, %mul3A_100 : i32
      %get3A = arith.index_cast %mul3A_101 : i32 to index
      %get3A_102 = tpu.vector_load %arg8[%get3A] {strides = array<i32>} : memref<1040xi32, #tpu.memory_space<vmem>>, vector<16xi32>,
      %dma_start3A_103 = arith.constant 0 : i32
      %dma_start3A_104 = arith.constant 0 : i32
      %dma_start3A_105 = tpu.memref_slice %arg4[%dma_start3A_103, %dma_start3A_104] : memref<32768x2048xf32, #tpu.memory_space<hbm>> -> memref<32768x2048xf32, #tpu.memory_space<hbm>>
      tpu.enqueue_indirect_dma source(%arg10 : memref<16x2048xf32, #tpu.memory_space<vmem>>) target(%dma_start3A_105 : memref<32768x2048xf32, #tpu.memory_space<hbm>>) offsets(%get3A_102 : vector<16xi32>) semaphore(%arg13 : memref<!tpu.dma_semaphore, #tpu.memory_space<semaphore_mem>>)
    }
    %while3A_87 = arith.constant 1 : i32
    scf.for %while3A_99 = %while3A_85 to %while3A_81 step %while3A_87  : i32 {
      %mul3A_100 = arith.constant 16 : i32
      %mul3A_101 = arith.muli %while3A_99, %mul3A_100 : i32
      %get3A = arith.index_cast %mul3A_101 : i32 to index
      %get3A_102 = tpu.vector_load %arg8[%get3A] {strides = array<i32>} : memref<1040xi32, #tpu.memory_space<vmem>>, vector<16xi32>,
      %dma_start3A_103 = arith.constant 0 : i32
      %dma_start3A_104 = arith.constant 0 : i32
      %dma_start3A_105 = tpu.memref_slice %arg4[%dma_start3A_103, %dma_start3A_104] : memref<32768x2048xf32, #tpu.memory_space<hbm>> -> memref<32768x2048xf32, #tpu.memory_space<hbm>>
      tpu.enqueue_indirect_dma source(%arg10 : memref<16x2048xf32, #tpu.memory_space<vmem>>) target(%dma_start3A_105 : memref<32768x2048xf32, #tpu.memory_space<hbm>>) offsets(%get3A_102 : vector<16xi32>) semaphore(%arg13 : memref<!tpu.dma_semaphore, #tpu.memory_space<semaphore_mem>>)
    }
    %add3A_88 = arith.addi %select_n3A, %select_n3A_70 : i32
    %while3A_89 = arith.constant 0 : i32
    %while3A_90 = arith.constant 0 : i32
    %while3A_91 = arith.subi %add3A_88, %while3A_90 : i32
    %while3A_92 = arith.addi %while3A_90, %while3A_91 : i32
    %while3A_93 = arith.constant 1 : i32
    %while3A_94 = arith.divsi %while3A_91, %while3A_93 : i32
    %while3A_95 = arith.muli %while3A_94, %while3A_93 : i32
    %while3A_96 = arith.addi %while3A_90, %while3A_95 : i32
    %while3A_97 = arith.constant 1 : i32
    scf.for %while3A_99 = %while3A_90 to %while3A_96 step %while3A_97  : i32 {
      %get3A = arith.constant 0 : index
      %get3A_100 = tpu.vector_load %arg7[%get3A] {strides = array<i32>} : memref<1040xi32, #tpu.memory_space<vmem>>, vector<16xi32>,
      %dma_wait3A_101 = arith.constant 0 : i32
      %dma_wait3A_102 = arith.constant 0 : i32
      %dma_wait3A_103 = tpu.memref_slice %arg4[%dma_wait3A_101, %dma_wait3A_102] : memref<32768x2048xf32, #tpu.memory_space<hbm>> -> memref<32768x2048xf32, #tpu.memory_space<hbm>>
      tpu.wait_indirect_dma semaphore(%arg13 : memref<!tpu.dma_semaphore, #tpu.memory_space<semaphore_mem>>) src(%arg9 : memref<16x2048xf32, #tpu.memory_space<vmem>>) dst(%dma_wait3A_103 : memref<32768x2048xf32, #tpu.memory_space<hbm>>)
    }
    %while3A_98 = arith.constant 1 : i32
    scf.for %while3A_99 = %while3A_96 to %while3A_92 step %while3A_98  : i32 {
      %get3A = arith.constant 0 : index
      %get3A_100 = tpu.vector_load %arg7[%get3A] {strides = array<i32>} : memref<1040xi32, #tpu.memory_space<vmem>>, vector<16xi32>,
      %dma_wait3A_101 = arith.constant 0 : i32
      %dma_wait3A_102 = arith.constant 0 : i32
      %dma_wait3A_103 = tpu.memref_slice %arg4[%dma_wait3A_101, %dma_wait3A_102] : memref<32768x2048xf32, #tpu.memory_space<hbm>> -> memref<32768x2048xf32, #tpu.memory_space<hbm>>
      tpu.wait_indirect_dma semaphore(%arg13 : memref<!tpu.dma_semaphore, #tpu.memory_space<semaphore_mem>>) src(%arg9 : memref<16x2048xf32, #tpu.memory_space<vmem>>) dst(%dma_wait3A_103 : memref<32768x2048xf32, #tpu.memory_space<hbm>>)
    }
    return
  }
}

</mosaic_0001>

<sc_bundles>
// kernel: kernel.3.cloned.1.call-start
scs
__scs_entry_jumppad:
0x0: {  	(pc) =	sbr.rel $0x88, $3  }
0x1: {  	(tag) =	ssettag $0x0;
	lr =	simm.s32 $0x1  }
0x2: {  	[smem:$0x3F9F] =	sst lr;
	_ =	strace $0xD0000000  }
0x3: {  	_ = 	snop  }
0x4: {  	_ = 	snop  }
0x5: {  	_ = 	snop  }
0x6: {  	_ = 	snop  }
0x7: {  	_ = 	snop  }
__scs_overlays_trampoline_lowered:
0x8: {  	[smem:$0x3FAE] =	sst s0  }
0x9: {  	[smem:$0x3FAF] =	sst s1  }
0xa: {  	[smem:$0x3FB0] =	sst s2  }
0xb: {  	[smem:$0x3FB1] =	sst s3  }
0xc: {  	[smem:$0x3FB2] =	sst s4  }
0xd: {  	[smem:$0x3FB3] =	sst s5  }
0xe: {  	[smem:$0x3FB4] =	sst s6  }
0xf: {  	[smem:$0x3FB5] =	sst s7  }
0x10: {  	[smem:$0x3FB6] =	sst s8  }
0x11: {  	[smem:$0x3FB7] =	sst s9;
	s0 =	simm.s32 @!p0 $0x0  }
0x12: {  	s1 =	sld [smem:$0x3F9D];
	s0 =	simm.s32 @p0 $0x1  }
0x13: {  	[smem:$0x3FB8] =	sst s0;
	s0 =	simm.s32 @!p1 $0x0  }
0x14: {  	s2 =	sld [smem:$0x3F9C];
	s0 =	simm.s32 @p1 $0x1  }
0x15: {  	[smem:$0x3FB9] =	sst s0;
	s0 =	simm.s32 @!p2 $0x0  }
0x16: {  	s3 =	sld [smem:$0x3FDB];
	s0 =	simm.s32 @p2 $0x1  }
0x17: {  	s4 =	simm.s32 $0x1BF5;
	[smem:$0x3FBB] =	sst s0  }
0x18: {  	s0 =	sld [smem:$0x3F9E];
	_ =	swait.ge [sflag:s4], $0x0  }
0x19: {  	s7 =	sld [smem:$0x3F9F]  }
0x1a: {  	s8 =	sadd.s32 $0xFFFFE003, lr  }
0x1b: {  	s9 =	sadd.s32 $0xFFFFFEF7, lr;
	s5 =	simm.s32 $0xFFFFFFFF;
	p2 =	slt.u32 s8, $0xFFFFF086  }
0x1c: {  	p1 =	slt.u32 s9, $0xF7A;
	s5 =	simm.s32 @!p2 $0x0  }
0x1d: {  	s5 =	simm.s32 @p1 $0x1;
	p0 =	seq.s32 s7, s2  }
0x1e: {  	s7 =	smul.u32 @!p0 $0xF7A, s2;
	p2 =	seq.s32 @!p0 s5, $0x0  }
0x1f: {  	s9 =	smul.u32 $0xF7A, s1;
	s8 =	simm.s32 @!p0 $0x1BF5;
	p2 =	por !p2, p0  }
0x20: {  	[sflag:s8] =	ssyncset.s32 @!p0 $0xFFFFF086;
	s6 =	sadd.s32 @!p0 s3, s7;
	s7 =	simm.s32 @!p0 $0x108  }
0x21: {  	s3 =	sadd.s32 s3, s9;
	s6 =	sadd.s32 @!p0 $0x88, s6;
	s7 =	simm.s32 @p2 $0x1082  }
0x22: {  	[simem:s7], [sflag:s8] =	dma.local @!p0 [hbm:s6], $0xF7A  }
0x23: {  	s9 =	sor.u32 $0xD0000000, s2;
	s6 =	simm.s32 $0x108;
	_ =	swait.ge @!p0 [sflag:s8], $0x0  }
0x24: {  	s3 =	sadd.s32 $0x88, s3;
	s6 =	simm.s32 @!p1 $0x1082;
	[sflag:s4] =	ssyncset.s32 $0xFFFFF086  }
0x25: {  	[simem:s6], [sflag:s4] =	dma.local [hbm:s3], $0xF7A  }
0x26: {  	[smem:$0x3F9F] =	sst s1;
	(tag) =	ssettag s2;
	_ =	strace s9  }
0x27: {  	s1 =	sld [smem:$0x3FAF]  }
0x28: {  	s2 =	sld [smem:$0x3FB0]  }
0x29: {  	s4 =	sld [smem:$0x3FB2]  }
0x2a: {  	p0 =	seq.s32 s5, $0x0;
	s5 =	sld [smem:$0x3FB3]  }
0x2b: {  	s6 =	sld [smem:$0x3FB4]  }
0x2c: {  	s7 =	sld [smem:$0x3FB5]  }
0x2d: {  	s3 =	simm.s32 $0x108;
	s8 =	sld [smem:$0x3FB6]  }
0x2e: {  	s3 =	simm.s32 @!p0 $0x1082;
	s9 =	sld [smem:$0x3FB7]  }
0x2f: {  	lr =	sadd.s32 s0, s3;
	s0 =	sld [smem:$0x3FAE]  }
0x30: {  	s3 =	sld [smem:$0x3FB1]  }
0x31: {  	[smem:$0x3FBA] =	sst s10  }
0x32: {  	s10 =	sld [smem:$0x3FB8];
	_ =	sdelay $0x3  }
0x33: {  	p0 =	seq.s32 s10, $0x1;
	s10 =	sld [smem:$0x3FBA];
	_ =	sdelay $0x3  }
0x34: {  	[smem:$0x3FBA] =	sst s10  }
0x35: {  	s10 =	sld [smem:$0x3FB9];
	_ =	sdelay $0x3  }
0x36: {  	p1 =	seq.s32 s10, $0x1;
	s10 =	sld [smem:$0x3FBA];
	_ =	sdelay $0x3  }
0x37: {  	[smem:$0x3FBA] =	sst s10  }
0x38: {  	s10 =	sld [smem:$0x3FBB]  }
0x39: {  	_ = 	snop;
	(pc) =	sbr.ind lr, $3  }
0x3a: {  	_ = 	snop  }
0x3b: {  	_ = 	snop  }
0x3c: {  	p2 =	seq.s32 s10, $0x1;
	s10 =	sld [smem:$0x3FBA]  }
0x3d: {  	_ =	shalt  }
0x3e: {  	_ =	shalt  }
0x3f: {  	_ =	shalt  }
0x40: {  	_ =	shalt  }
0x41: {  	_ =	shalt  }
0x42: {  	_ =	shalt  }
0x43: {  	_ =	shalt  }
0x44: {  	_ =	shalt  }
0x45: {  	_ =	shalt  }
0x46: {  	_ =	shalt  }
0x47: {  	_ =	shalt  }
0x48: {  	_ =	shalt  }
0x49: {  	_ =	shalt  }
0x4a: {  	_ =	shalt  }
0x4b: {  	_ =	shalt  }
0x4c: {  	_ =	shalt  }
0x4d: {  	_ =	shalt  }
0x4e: {  	_ =	shalt  }
0x4f: {  	_ =	shalt  }
0x50: {  	_ =	shalt  }
0x51: {  	_ =	shalt  }
0x52: {  	_ =	shalt  }
0x53: {  	_ =	shalt  }
0x54: {  	_ =	shalt  }
0x55: {  	_ =	shalt  }
0x56: {  	_ =	shalt  }
0x57: {  	_ =	shalt  }
0x58: {  	_ =	shalt  }
0x59: {  	_ =	shalt  }
0x5a: {  	_ =	shalt  }
0x5b: {  	_ =	shalt  }
0x5c: {  	_ =	shalt  }
0x5d: {  	_ =	shalt  }
0x5e: {  	_ =	shalt  }
0x5f: {  	_ =	shalt  }
0x60: {  	_ =	shalt  }
0x61: {  	_ =	shalt  }
0x62: {  	_ =	shalt  }
0x63: {  	_ =	shalt  }
0x64: {  	_ =	shalt  }
0x65: {  	_ =	shalt  }
0x66: {  	_ =	shalt  }
0x67: {  	_ =	shalt  }
0x68: {  	_ =	shalt  }
0x69: {  	_ =	shalt  }
0x6a: {  	_ =	shalt  }
0x6b: {  	_ =	shalt  }
0x6c: {  	_ =	shalt  }
0x6d: {  	_ =	shalt  }
0x6e: {  	_ =	shalt  }
0x6f: {  	_ =	shalt  }
0x70: {  	_ =	shalt  }
0x71: {  	_ =	shalt  }
0x72: {  	_ =	shalt  }
0x73: {  	_ =	shalt  }
0x74: {  	_ =	shalt  }
0x75: {  	_ =	shalt  }
0x76: {  	_ =	shalt  }
0x77: {  	_ =	shalt  }
0x78: {  	_ =	shalt  }
0x79: {  	_ =	shalt  }
0x7a: {  	_ =	shalt  }
0x7b: {  	_ =	shalt  }
0x7c: {  	_ =	shalt  }
0x7d: {  	_ =	shalt  }
0x7e: {  	_ =	shalt  }
0x7f: {  	_ =	shalt  }
0x80: {  	_ =	shalt  }
0x81: {  	_ =	shalt  }
0x82: {  	_ =	shalt  }
0x83: {  	_ =	shalt  }
0x84: {  	_ =	shalt  }
0x85: {  	_ =	shalt  }
0x86: {  	_ =	shalt  }
0x87: {  	_ =	shalt  }
.Lfunc_end0:
.L_simem_size_0:
called_computation_lowered:
.L_overlay_start_0:
0x88: {  	s2 =	sld [smem:$0x3FD9]  }
0x89: {  	s3 =	sld [smem:$0x3FFE];
	_ =	sdelay $0x1  }
0x8a: {  	s1 =	srdreg.scid  }
0x8b: {  	s0 =	sand.u32 $0x1, s1  }
0x8c: {  	s17 =	sshll.u32 s0, $0xA;
	s2 =	sadd.s32 s3, s2  }
0x8d: {  	s2 =	sadd.s32 s2, s17  }
0x8e: {  	[smem:$0x3FC6] =	sst s2  }
0x8f: {  	_ = 	snop  }
0x90: {  	s2 =	sld [smem:$0x3FC8]  }
0x91: {  	s18 =	sld [smem:$0x3FD0];
	(tm) =	ssettm $0x1  }
0x92: {  	s4 =	sld [smem:$0x3FFB];
	_ =	sdelay $0x3  }
0x93: {  	_ =	strace s4  }
0x94: {  	s4 =	sld [smem:$0x3FFC];
	_ =	sdelay $0x3  }
0x95: {  	_ =	strace s4  }
0x96: {  	s4 =	sld [smem:$0x3FFD];
	_ =	sdelay $0x3  }
0x97: {  	_ =	strace s4  }
0x98: {  	_ =	strace $0x8FFFFFFF  }
0x99: {  	s19 =	sld [smem:$0x3FDB];
	_ =	sdelay $0x1  }
0x9a: {  	s5 =	simm.s32 $_scs_section_size  }
0x9b: {  	s6 =	simm.s32 $_size__tile_overlayer_lowered;
	s7 =	simm.s32 $_tile_overlayer_lowered  }
0x9c: {  	s22 =	simm.s32 $0x1BFF;
	s21 =	sshll.u32 s7, $0x1;
	s4 =	sadd.s32 s5, s19  }
0x9d: {  	s8 =	simm.s32 $0x0;
	s20 =	sshll.u32 s6, $0x1;
	s6 =	sadd.s32 s21, s4  }
0x9e: {  	[timem:s8], [sflag:s22] =	dma.local [hbm:s6], s20  }
0x9f: {  	_ =	swait.ge [sflag:s22], s20  }
0xa0: {  	s5 =	ssub.s32 $0x0, s20;
	[sflag:s22] =	ssyncset.done $0x0  }
0xa1: {  	[sflag:s22] =	ssyncadd.s32 s5;
	_ =	sdelay $0x1  }
0xa2: {  	s23 =	simm.s32 $0x1B8B  }
0xa3: {  	_ =	swait.ge [sflag:s23], $0x1  }
0xa4: {  	[sflag:s23] =	ssyncset.done $0x0  }
0xa5: {  	s25 =	simm.s32 $0x1B8E;
	s24 =	sld [smem:$0x3FFE];
	[sflag:s23] =	ssyncadd.s32 $0xFFFFFFFF  }
0xa6: {  	s26 =	simm.s32 $execute0_lowered;
	[smem:$0x3FD2] =	sst s25  }
0xa7: {  	s6 =	sshll.u32 s26, $0x1;
	_ =	strace $0x80000046;
	[dreg:$0x1] =	wrdreg $0xFFFFFFFF  }
0xa8: {  	s28 =	simm.s32 $_size_execute0_lowered;
	s4 =	sadd.s32 s4, s6;
	[dreg:$0x0] =	wrdreg $0x0  }
0xa9: {  	s6 =	sshll.u32 s28, $0x1;
	[dreg:$0x2] =	wrdreg s4  }
0xaa: {  	[dreg:$0x3] =	wrdreg s6  }
0xab: {  	[dreg:$0x4] =	wrdreg $0xC0  }
0xac: {  	_ =	task [dreg:s8], $0x5FFFF  }
0xad: {  	[dreg:$0x1] =	wrdreg $0xFFFFFFFF  }
0xae: {  	[dreg:$0x0] =	wrdreg $0x60  }
0xaf: {  	[dreg:$0x2] =	wrdreg s24  }
0xb0: {  	[dreg:$0x3] =	wrdreg s2  }
0xb1: {  	[dreg:$0x4] =	wrdreg s18  }
0xb2: {  	[dreg:$0x5] =	wrdreg $0x9  }
0xb3: {  	_ =	task.clear_ibuf [dreg:s8], $0x6FFFF;
	_ =	strace $0x90000046  }
0xb4: {  	s29 =	simm.s32 $0x9;
	_ =	strace $0x80000048  }
0xb5: {  	_ =	swait.ge [sflag:s29], $0x1  }
0xb6: {  	[sflag:s29] =	ssyncadd.s32 $0xFFFFFFFF  }
0xb7: {  	_ =	strace $0x90000048  }
0xb8: {  	_ =	sfence  }
0xb9: {  	s30 =	sld [smem:$0x0];
	_ =	sdelay $0x2  }
0xba: {  	s31 =	sshll.u32 s1, $0xD;
	s1 =	sshrl.u32 s1, $0x2  }
0xbb: {  	s3 =	sand.u32 $0x4000, s31;
	s1 =	sadd.s32 s1, s30  }
0xbc: {  	s0 =	sor.u32 s3, s0;
	s1 =	sshll.u32 s1, $0x11  }
0xbd: {  	s0 =	sor.u32 s1, s0  }
0xbe: {  	s0 =	sadd.s32 $0x8F2B, s0  }
0xbf: {  	[sflag:s0] =	ssyncadd.remote.s32 $0x1  }
0xc0: {  	_ =	sfence.sel $0xFFFF  }
0xc1: {  	[dreg:$0x0] =	wrdreg $0xFFFFFFFF;
	(pc) =	sbr.abs _section_cstart, $3  }
0xc2: {  	[dreg:$0x1] =	wrdreg $0xFFFFFFFF  }
0xc3: {  	_ =	task.clear_ibuf [dreg:s8], $0x2FFFF;
	_ =	strace $0x9FFFFFFF  }
0xc4: {  	(tm) =	ssettm $0x7FFFFFFF  }
0xc5: {  	_ =	shalt  }
tec
execute0_lowered:
.L_overlay_start_1:
0x0: {  	(tag) =	ssettag $0x1  }
0x1: {  	s0 =	rddreg [dreg:$0x0];
	s1 =	srdreg.scid  }
0x2: {  	s3 =	rddreg [dreg:$0x2];
	s2 =	stileid.u32  }
0x3: {  	s4 =	simm.s32 $0x0;
	s18 =	simm.s32 $0x1880;
	s19 =	simm.s32 $0x1400  }
0x4: {  	s30 =	simm.s32 $0x9D00;
	s17 =	simm.s32 $0xA500;
	s20 =	simm.s32 $0xAD00  }
0x5: {  	s21 =	simm.s32 $0xB500;
	s22 =	simm.s32 $0xBD00;
	s23 =	simm.s32 $0xC500  }
0x6: {  	s24 =	simm.s32 $0xCD00;
	s25 =	simm.s32 $0xD500;
	s28 =	simm.s32 $0xE500  }
0x7: {  	s29 =	simm.s32 $0xED00;
	s1 =	sand.u32 $0x1, s1;
	s2 =	sshll.u32 s2, $0xB  }
0x8: {  	[smem:$0x7FF] =	sst s4;
	s7 =	sadd.s32 $0x100, s3;
	s8 =	sadd.s32 $0x200, s3  }
0x9: {  	s9 =	sadd.s32 $0x300, s3;
	s10 =	sadd.s32 $0x400, s3;
	s11 =	sadd.s32 $0x500, s3  }
0xa: {  	s12 =	sadd.s32 $0x600, s3;
	s5 =	sshll.u32 s1, $0xA;
	s1 =	ssub.s32 $0x2, s1  }
.Ltmp0:
0xb: {  	s2 =	sor.u32 s5, s2;
	s26 =	sshrl.u32 s1, $0x1;
	(pc) =	sbr.rel .LBB2_1-.Ltmp0, $4  }
0xc: {  	[dreg:$0x4] =	wrdreg s2;
	s2 =	sshrl.u32 s2, $0x3;
	s1 =	ssub.s32 s1, s26  }
0xd: {  	v0 =	vlaneseq.u32;
	s13 =	sadd.s32 $0x700, s3;
	s0 =	sadd.s32 s2, s0;
	s31 =	smax.u32 s1, $0x1  }
0xe: {  	v1 =	vimm.s32 $0x0;
	vm0 =	vmmov $0xffff;
	v3 =	vshrl.u32 v0, $0x3;
	_ =	strace $0x80000047;
	s0 =	sadd.s32 $0x400, s0;
	[dreg:$0x6] =	wrdreg s31  }
0xf: {  	v2 =	vand.u32 $0x7, v0;
	v4 =	vor.u32 $0x8, v0;
	v3 =	vmul.u32 $0x8, v3;
	s26 =	simm.s32 $0xDD00;
	s2 =	simm.s32 $0x0;
	[dreg:$0x5] =	wrdreg s0  }
.LBB2_26:
0x10: {  	[sflag:s0] =	ssyncadd.s32 $0xFFFF8000  }
.LBB2_27:
0x11: {  	s2 =	sadd.s32 $0x1, s2;
	s1 =	rddreg [dreg:$0x6]  }
0x12: {  	p0 =	sne.s32 s2, s1  }
.Ltmp1:
0x13: {  	_ = 	snop;
	(pc) =	sbr.rel @!p0 .LBB2_28-.Ltmp1, $1  }
0x14: {  	_ =	sdelay $0x3  }
.LBB2_1:
0x15: {  	[dreg:$0x7] =	wrdreg s2  }
0x16: {  	s1 =	rddreg [dreg:$0x5]  }
0x17: {  	[tilespmem:s4], [sflag:$0x2] =	stream.linear.gather [hbm4b:s1+s4], $0x400, $0x38;
	[tilespmem:$0x11D00] =	vst v63  }
0x18: {  	s6 =	rddreg [dreg:$0x1];
	s14 =	simm.s32 $0x400;
	s5 =	simm.s32 $0x1  }
0x19: {  	[tilespmem:s14], [sflag:$0x1] =	stream.linear.gather [hbm4b:s6+s4], $0x1000, $0x38;
	[tilespmem:$0x11D00] =	vst v63  }
0x1a: {  	s15 =	sand.u32 $0x7FFFFC00, s4;
	_ =	swait.ge [sflag:s5], $0x1000  }
0x1b: {  	s16 =	sand.u32 $0x70, s4;
	s6 =	sshrl.u32 s15, $0x2;
	[sflag:s5] =	ssyncset.done $0x0  }
0x1c: {  	s6 =	sor.u32 s16, s6;
	[sflag:s5] =	ssyncadd.s32 $0xFFFFF000  }
0x1d: {  	v5 =	vld [tilespmem:s6+$0x400];
	_ =	sdelay $0x3  }
0x1e: {  	s1 =	sor.u32 s16, s15  }
0x1f: {  	v6 =	vld [tilespmem:s6+$0x480];
	[tilespmem:s1+$0x5E80] =	vst v5  }
0x20: {  	[tilespmem:s1+$0x1F00] =	vst v5  }
0x21: {  	[tilespmem:s1+$0x1E80] =	vst v5  }
0x22: {  	[tilespmem:s1+$0x1E00] =	vst v5  }
0x23: {  	[tilespmem:s1+$0x1D80] =	vst v5  }
0x24: {  	[tilespmem:s1+$0x9E80] =	vst v6  }
0x25: {  	[tilespmem:s1+$0x9E00] =	vst v6  }
0x26: {  	[tilespmem:s1+$0x9D80] =	vst v6  }
0x27: {  	[tilespmem:s1+$0x9D00] =	vst v6  }
0x28: {  	[tilespmem:s1+$0x1D00] =	vst v5  }
0x29: {  	[tilespmem:s1+$0xDE80] =	vst v6  }
0x2a: {  	[tilespmem:s1+$0xDE00] =	vst v6  }
0x2b: {  	[tilespmem:s1+$0x5E00] =	vst v5  }
0x2c: {  	[tilespmem:s1+$0xDD80] =	vst v6  }
0x2d: {  	[tilespmem:s1+$0x5D80] =	vst v5  }
0x2e: {  	[tilespmem:s1+$0xDD00] =	vst v6  }
0x2f: {  	[tilespmem:s1+$0x5D00] =	vst v5  }
0x30: {  	[tilespmem:s1+$0xA080] =	vst v6  }
0x31: {  	[tilespmem:s1+$0x2080] =	vst v5  }
0x32: {  	[tilespmem:s1+$0xA000] =	vst v6  }
0x33: {  	[tilespmem:s1+$0x2000] =	vst v5  }
0x34: {  	[tilespmem:s1+$0x9F80] =	vst v6  }
0x35: {  	[tilespmem:s1+$0x1F80] =	vst v5  }
0x36: {  	[tilespmem:s1+$0x9F00] =	vst v6  }
0x37: {  	[tilespmem:s1+$0x5F00] =	vst v5  }
0x38: {  	[tilespmem:s1+$0xDF00] =	vst v6  }
0x39: {  	[tilespmem:s1+$0x5F80] =	vst v5  }
0x3a: {  	[tilespmem:s1+$0xDF80] =	vst v6  }
0x3b: {  	s31 =	simm.s32 $0x80;
	[tilespmem:s1+$0x6000] =	vst v5  }
0x3c: {  	s2 =	simm.s32 $0x100;
	s15 =	simm.s32 $0x10;
	s6 =	sand.u32 $0x7FFFFC00, s31;
	[tilespmem:s1+$0xE000] =	vst v6  }
.LBB2_2:
0x3d: {  	p0 =	sne.s32 s2, $0x3F80;
	s14 =	sand.u32 $0x70, s15;
	s5 =	sshrl.u32 s6, $0x2;
	[tilespmem:s1+$0x6080] =	vst v5  }
0x3e: {  	s5 =	sor.u32 s14, s5;
	[tilespmem:s1+$0xE080] =	vst v6  }
0x3f: {  	v5 =	vld [tilespmem:s5+$0x400];
	_ =	sdelay $0x3  }
0x40: {  	s1 =	sor.u32 s14, s6  }
0x41: {  	v6 =	vld [tilespmem:s5+$0x480];
	[tilespmem:s1+$0x5E80] =	vst v5  }
0x42: {  	[tilespmem:s1+$0x1F00] =	vst v5  }
0x43: {  	[tilespmem:s1+$0x1E80] =	vst v5  }
0x44: {  	[tilespmem:s1+$0x1E00] =	vst v5  }
0x45: {  	[tilespmem:s1+$0x1D80] =	vst v5  }
0x46: {  	[tilespmem:s1+$0x9E80] =	vst v6  }
0x47: {  	[tilespmem:s1+$0x9E00] =	vst v6  }
0x48: {  	[tilespmem:s1+$0x9D80] =	vst v6  }
0x49: {  	[tilespmem:s1+$0x9D00] =	vst v6  }
0x4a: {  	[tilespmem:s1+$0x1D00] =	vst v5  }
0x4b: {  	[tilespmem:s1+$0xDE80] =	vst v6  }
0x4c: {  	[tilespmem:s1+$0xDE00] =	vst v6  }
0x4d: {  	[tilespmem:s1+$0x5E00] =	vst v5  }
0x4e: {  	[tilespmem:s1+$0xDD80] =	vst v6  }
0x4f: {  	[tilespmem:s1+$0x5D80] =	vst v5  }
0x50: {  	[tilespmem:s1+$0xDD00] =	vst v6  }
0x51: {  	[tilespmem:s1+$0x5D00] =	vst v5  }
0x52: {  	[tilespmem:s1+$0xA080] =	vst v6  }
0x53: {  	[tilespmem:s1+$0x2080] =	vst v5  }
0x54: {  	[tilespmem:s1+$0xA000] =	vst v6  }
0x55: {  	[tilespmem:s1+$0x2000] =	vst v5  }
0x56: {  	[tilespmem:s1+$0x9F80] =	vst v6  }
0x57: {  	[tilespmem:s1+$0x1F80] =	vst v5  }
0x58: {  	[tilespmem:s1+$0x9F00] =	vst v6  }
0x59: {  	[tilespmem:s1+$0x5F00] =	vst v5  }
.Ltmp2:
0x5a: {  	[tilespmem:s1+$0xDF00] =	vst v6;
	(pc) =	sbr.rel @p0 .LBB2_2-.Ltmp2, $4  }
0x5b: {  	[tilespmem:s1+$0x5F80] =	vst v5  }
0x5c: {  	[tilespmem:s1+$0xDF80] =	vst v6  }
0x5d: {  	[tilespmem:s1+$0x6000] =	vst v5  }
0x5e: {  	s15 =	sadd.s32 $0x10, s15;
	s6 =	sand.u32 $0x7FFFFC00, s2;
	s2 =	sadd.s32 $0x80, s2;
	[tilespmem:s1+$0xE000] =	vst v6  }
0x5f: {  	s2 =	sand.u32 $0x70, s15;
	s5 =	sshrl.u32 s6, $0x2;
	[tilespmem:s1+$0x6080] =	vst v5  }
0x60: {  	[tilespmem:s1+$0xE080] =	vst v6;
	s5 =	sor.u32 s2, s5  }
0x61: {  	v5 =	vld [tilespmem:s5+$0x400];
	_ =	sdelay $0x3  }
0x62: {  	s14 =	sor.u32 s2, s6  }
0x63: {  	v6 =	vld [tilespmem:s5+$0x480];
	[tilespmem:s14+$0x5E80] =	vst v5  }
0x64: {  	[tilespmem:s14+$0x1F00] =	vst v5  }
0x65: {  	[tilespmem:s14+$0x1E80] =	vst v5  }
0x66: {  	[tilespmem:s14+$0x1E00] =	vst v5  }
0x67: {  	[tilespmem:s14+$0x1D80] =	vst v5  }
0x68: {  	[tilespmem:s14+$0x9E80] =	vst v6  }
0x69: {  	[tilespmem:s14+$0x9E00] =	vst v6  }
0x6a: {  	[tilespmem:s14+$0x9D80] =	vst v6  }
0x6b: {  	[tilespmem:s14+$0x9D00] =	vst v6  }
0x6c: {  	[tilespmem:s14+$0x1D00] =	vst v5  }
0x6d: {  	[tilespmem:s14+$0xDE80] =	vst v6  }
0x6e: {  	[tilespmem:s14+$0xDE00] =	vst v6  }
0x6f: {  	[tilespmem:s14+$0x5E00] =	vst v5  }
0x70: {  	[tilespmem:s14+$0xDD80] =	vst v6  }
0x71: {  	[tilespmem:s14+$0x5D80] =	vst v5  }
0x72: {  	[tilespmem:s14+$0xDD00] =	vst v6  }
0x73: {  	[tilespmem:s14+$0x5D00] =	vst v5  }
0x74: {  	[tilespmem:s14+$0xA080] =	vst v6  }
0x75: {  	[tilespmem:s14+$0x2080] =	vst v5  }
0x76: {  	[tilespmem:s14+$0xA000] =	vst v6  }
0x77: {  	[tilespmem:s14+$0x2000] =	vst v5  }
0x78: {  	[tilespmem:s14+$0x9F80] =	vst v6  }
0x79: {  	[tilespmem:s14+$0x1F80] =	vst v5  }
0x7a: {  	[tilespmem:s14+$0x9F00] =	vst v6  }
0x7b: {  	[tilespmem:s14+$0x5F00] =	vst v5  }
0x7c: {  	[tilespmem:s14+$0xDF00] =	vst v6  }
0x7d: {  	[tilespmem:s14+$0x5F80] =	vst v5  }
0x7e: {  	[tilespmem:s14+$0xDF80] =	vst v6  }
0x7f: {  	[tilespmem:s14+$0x6000] =	vst v5  }
0x80: {  	[tilespmem:s14+$0xE000] =	vst v6  }
.Ltmp3:
0x81: {  	s15 =	simm.s32 $0x2;
	[tilespmem:s14+$0x6080] =	vst v5;
	(pc) =	sbr.rel .LBB2_5-.Ltmp3, $4  }
0x82: {  	s0 =	simm.s32 $0x0;
	s1 =	simm.s32 $0x0;
	s16 =	simm.s32 $0x0;
	[tilespmem:s14+$0xE080] =	vst v6  }
0x83: {  	s31 =	simm.s32 $0x0;
	_ =	swait.ge [sflag:s15], $0x400;
	[dreg:$0xc] =	wrdreg s0  }
0x84: {  	s5 =	simm.s32 $0x0;
	[dreg:$0xd] =	wrdreg s16;
	[sflag:s15] =	ssyncset.done $0x0  }
0x85: {  	s0 =	simm.s32 $0x0;
	s2 =	rddreg [dreg:$0x4];
	[sflag:s15] =	ssyncadd.s32 $0xFFFFFC00  }
.LBB2_14:
0x86: {  	_ =	sdelay $0x3  }
0x87: {  	[hbm4b:s13+s4] =	stream.indirect_vreg.scatter [tilespmem:s19], [sflag:$0x3], $0x80, v5, vm0, $0xb8;
	[tilespmem:$0x11D00] =	vst v63  }
0x88: {  	s0 =	rddreg [dreg:$0x8]  }
0x89: {  	s18 =	simm.s32 $0x1880;
	s19 =	simm.s32 $0x1400;
	s31 =	rddreg [dreg:$0xb]  }
.LBB2_4:
0x8a: {  	s31 =	sadd.s32 $0x1, s31  }
0x8b: {  	p4 =	seq.s32 s31, $0x8  }
.Ltmp4:
0x8c: {  	_ = 	snop;
	(pc) =	sbr.rel @p4 .LBB2_15-.Ltmp4, $4  }
0x8d: {  	_ = 	snop  }
0x8e: {  	s1 =	rddreg [dreg:$0x9]  }
0x8f: {  	s2 =	rddreg [dreg:$0xa]  }
0x90: {  	s5 =	rddreg [dreg:$0xe];
	s1 =	sadd.s32 $0x80, s1;
	s2 =	sadd.s32 $0x80, s2  }
.LBB2_5:
0x91: {  	v5 =	vmov s1;
	_ =	sdelay $0x3  }
0x92: {  	s14 =	simm.s32 $0x0  }
0x93: {  	v6 =	vld.idx.msk [tilespmem:v5+s14+$0x0 ss:$0x1], $0xffff;
	_ =	sdelay $0x4  }
0x94: {  	vm1 =	veq.s32 v6, $0x1  }
0x95: {  	v7 =	vsel vm1, $0x1, v1  }
0x96: {  	(xrf0) =	vadd.scan.msk.s32 $0xffff, v7;
	_ =	sdelay $0x5  }
0x97: {  	v8, _, _ =	vpop (xrf0)  }
0x98: {  	(v2sf) =	vpush v8, $0xF  }
0x99: {  	v7 =	vsub.s32 v8, v7  }
0x9a: {  	v8 =	vadd.s32 s0, v7;
	v7 =	vsub.s32 s5, v7  }
0x9b: {  	vm2 =	veq.s32 v6, $0x0;
	v6 =	vnsel vm1, $0x40F, v8;
	v7 =	vadd.s32 v0, v7  }
0x9c: {  	v7 =	vnsel vm2, $0x40F, v7;
	_ =	sdelay $0x2  }
0x9d: {  	v8 =	vor.u32 s2, v0  }
0x9e: {  	[tilespmem:v6+s18+$0x0] =	vst.idx.msk $0xffff, v8  }
0x9f: {  	[dreg:$0xb] =	wrdreg s31;
	s15 =	simm.s32 $0x10;
	[tilespmem:v7+s19+$0x0] =	vst.idx.msk $0xffff, v8  }
0xa0: {  	[dreg:$0x9] =	wrdreg s1;
	v6 =	vld.idx.msk [tilespmem:v5+s15+$0x0 ss:$0x1], $0xffff  }
0xa1: {  	s6 =	rddreg [dreg:$0xd]  }
0xa2: {  	s31 =	rddreg [dreg:$0xc]  }
0xa3: {  	[dreg:$0xa] =	wrdreg s2  }
0xa4: {  	[dreg:$0x13] =	wrdreg s6  }
0xa5: {  	[dreg:$0x11] =	wrdreg s31;
	vm1 =	veq.s32 v6, $0x1;
	s16 =	spop (v2sf)  }
0xa6: {  	s6 =	simm.s32 $0x80;
	v7 =	vsel vm1, $0x1, v1;
	s15 =	ssub.s32 s5, s16;
	s1 =	sadd.s32 s0, s16  }
.LBB2_6:
0xa7: {  	s5 =	sadd.s32 $0x10, s15  }
0xa8: {  	(xrf0) =	vadd.scan.msk.s32 $0xffff, v7;
	s2 =	sadd.s32 $0x10, s2;
	s14 =	smov.u32 s6;
	s16 =	sadd.s32 $0x40, s6  }
0xa9: {  	p0 =	sne.s32 s6, $0x1C0;
	_ =	sdelay $0x4  }
0xaa: {  	v8, _, _ =	vpop (xrf0)  }
0xab: {  	v7 =	vsub.s32 v8, v7;
	(v2sf) =	vpush v8, $0xF  }
0xac: {  	v8 =	vadd.s32 s1, v7;
	v7 =	vsub.s32 s5, v7  }
0xad: {  	vm2 =	veq.s32 v6, $0x0;
	v6 =	vnsel vm1, $0x40F, v8;
	v7 =	vadd.s32 v0, v7  }
0xae: {  	v7 =	vnsel vm2, $0x40F, v7;
	_ =	sdelay $0x2  }
0xaf: {  	v8 =	vor.u32 s2, v0  }
0xb0: {  	[tilespmem:v6+s18+$0x0] =	vst.idx.msk $0xffff, v8  }
0xb1: {  	s6 =	sshra.s32 s14, $0x2;
	[tilespmem:v7+s19+$0x0] =	vst.idx.msk $0xffff, v8  }
0xb2: {  	v6 =	vld.idx.msk [tilespmem:v5+s6+$0x0 ss:$0x1], $0xffff;
	_ =	sdelay $0x2  }
.Ltmp5:
0xb3: {  	(pc) =	sbr.rel @p0 .LBB2_6-.Ltmp5, $3  }
0xb4: {  	_ =	sdelay $0x1  }
0xb5: {  	vm1 =	veq.s32 v6, $0x1;
	s6 =	spop (v2sf)  }
0xb6: {  	v7 =	vsel vm1, $0x1, v1;
	s15 =	ssub.s32 s5, s6;
	s1 =	sadd.s32 s1, s6;
	s6 =	smov.u32 s16  }
0xb7: {  	(xrf0) =	vadd.scan.msk.s32 $0xffff, v7;
	_ =	sdelay $0x5  }
0xb8: {  	v5, _, _ =	vpop (xrf0)  }
0xb9: {  	(v2sf) =	vpush v5, $0xF;
	_ =	sdelay $0xe  }
0xba: {  	s5 =	sadd.s32 $0x10, s15;
	s6 =	spop (v2sf)  }
0xbb: {  	s14 =	ssub.s32 s5, s6  }
0xbc: {  	s0 =	sadd.s32 $0x10, s14  }
0xbd: {  	s16 =	sand.u32 $0xF, s0  }
0xbe: {  	s14 =	sshra.s32 s0, $0x1F;
	p0 =	slt.s32 s0, $0x1;
	p1 =	sne.s32 s16, $0x0  }
0xbf: {  	v5 =	vsub.s32 v5, v7;
	s15 =	sshrl.u32 s14, $0x1C;
	p2 =	por !p0, !p1  }
0xc0: {  	v7 =	vadd.s32 s1, v5;
	v5 =	vsub.s32 s5, v5;
	s14 =	simm.s32 $0x1;
	s5 =	sadd.s32 s15, s0;
	p2 =	por !p2, !p2  }
0xc1: {  	vm2 =	veq.s32 v6, $0x0;
	s2 =	sadd.s32 $0x10, s2;
	s31 =	sshra.s32 s5, $0x4;
	s14 =	simm.s32 @!p2 $0x0  }
0xc2: {  	v6 =	vnsel vm1, $0x40F, v7;
	v5 =	vadd.s32 v0, v5;
	v7 =	vor.u32 s2, v0;
	s2 =	rddreg [dreg:$0x13];
	s16 =	ssub.s32 s31, s14  }
0xc3: {  	v5 =	vnsel vm2, $0x40F, v5;
	p3 =	sge.s32 s2, s16  }
.Ltmp6:
0xc4: {  	_ = 	snop;
	(pc) =	sbr.rel @p3 .LBB2_11-.Ltmp6, $4  }
0xc5: {  	_ = 	snop  }
0xc6: {  	[dreg:$0xe] =	wrdreg s0;
	s0 =	sadd.s32 s1, s6  }
0xc7: {  	[tilespmem:v6+s18+$0x0] =	vst.idx.msk $0xffff, v7;
	s6 =	simm.s32 $0x1D00;
	s15 =	simm.s32 $0x2D00;
	s5 =	simm.s32 $0x3D00  }
0xc8: {  	[tilespmem:v5+s19+$0x0] =	vst.idx.msk $0xffff, v7;
	s14 =	simm.s32 $0x2500;
	[dreg:$0xd] =	wrdreg s16;
	s16 =	simm.s32 $0x3500  }
0xc9: {  	s26 =	sshll.u32 s2, $0x6  }
0xca: {  	s17 =	smov.u32 s2;
	s2 =	sshra.s32 s26, $0x2  }
0xcb: {  	s2 =	sadd.s32 $0x1400, s2  }
0xcc: {  	v5 =	vld [tilespmem:s2+$0x0];
	_ =	sdelay $0x4  }
0xcd: {  	v6 =	vshll.u32 v5, $0x4  }
0xce: {  	v5 =	vand.u32 $0x7, v5;
	v6 =	vand.u32 $0xFFFFFF80, v6  }
0xcf: {  	v5 =	vor.u32 v5, v6  }
0xd0: {  	v6 =	vperm.xlane v5, v2;
	_ =	sdelay $0x1  }
0xd1: {  	v6 =	vadd.s32 v3, v6;
	_ =	sdelay $0x4  }
0xd2: {  	[hbm4b:s3+s4] =	stream.indirect_vreg.scatter [tilespmem:s6], [sflag:$0x3], $0x80, v6, vm0, $0xb8;
	[tilespmem:$0x11D00] =	vst v63  }
0xd3: {  	_ = 	snop  }
0xd4: {  	[hbm4b:s7+s4] =	stream.indirect_vreg.scatter [tilespmem:s14], [sflag:$0x3], $0x80, v6, vm0, $0xb8;
	[tilespmem:$0x11D00] =	vst v63  }
0xd5: {  	s1 =	simm.s32 $0xFFFFFFFF  }
0xd6: {  	[hbm4b:s8+s4] =	stream.indirect_vreg.scatter [tilespmem:s15], [sflag:$0x3], $0x80, v6, vm0, $0xb8;
	[tilespmem:$0x11D00] =	vst v63  }
0xd7: {  	s1 =	simm.s32 @!p2 $0x0  }
0xd8: {  	[hbm4b:s9+s4] =	stream.indirect_vreg.scatter [tilespmem:s16], [sflag:$0x3], $0x80, v6, vm0, $0xb8;
	[tilespmem:$0x11D00] =	vst v63  }
0xd9: {  	s1 =	sadd.s32 s1, s31  }
0xda: {  	[hbm4b:s10+s4] =	stream.indirect_vreg.scatter [tilespmem:s5], [sflag:$0x3], $0x80, v6, vm0, $0xb8;
	[tilespmem:$0x11D00] =	vst v63  }
0xdb: {  	s1 =	ssub.s32 s1, s17;
	s17 =	simm.s32 $0x4500;
	v5 =	vperm.xlane v5, v4  }
0xdc: {  	[hbm4b:s11+s4] =	stream.indirect_vreg.scatter [tilespmem:s17], [sflag:$0x3], $0x80, v6, vm0, $0xb8;
	[tilespmem:$0x11D00] =	vst v63  }
0xdd: {  	s20 =	simm.s32 $0x4D00;
	v5 =	vadd.s32 v3, v5  }
0xde: {  	[hbm4b:s12+s4] =	stream.indirect_vreg.scatter [tilespmem:s20], [sflag:$0x3], $0x80, v6, vm0, $0xb8;
	[tilespmem:$0x11D00] =	vst v63  }
0xdf: {  	s21 =	simm.s32 $0x5500  }
0xe0: {  	[hbm4b:s13+s4] =	stream.indirect_vreg.scatter [tilespmem:s21], [sflag:$0x3], $0x80, v6, vm0, $0xb8;
	[tilespmem:$0x11D00] =	vst v63  }
0xe1: {  	s22 =	simm.s32 $0x5D00  }
0xe2: {  	[hbm4b:s3+s4] =	stream.indirect_vreg.scatter [tilespmem:s22], [sflag:$0x3], $0x80, v5, vm0, $0xb8;
	[tilespmem:$0x11D00] =	vst v63  }
0xe3: {  	s23 =	simm.s32 $0x6500  }
0xe4: {  	[hbm4b:s7+s4] =	stream.indirect_vreg.scatter [tilespmem:s23], [sflag:$0x3], $0x80, v5, vm0, $0xb8;
	[tilespmem:$0x11D00] =	vst v63  }
0xe5: {  	s24 =	simm.s32 $0x6D00  }
0xe6: {  	[hbm4b:s8+s4] =	stream.indirect_vreg.scatter [tilespmem:s24], [sflag:$0x3], $0x80, v5, vm0, $0xb8;
	[tilespmem:$0x11D00] =	vst v63  }
0xe7: {  	s25 =	simm.s32 $0x7500  }
0xe8: {  	[hbm4b:s9+s4] =	stream.indirect_vreg.scatter [tilespmem:s25], [sflag:$0x3], $0x80, v5, vm0, $0xb8;
	[tilespmem:$0x11D00] =	vst v63  }
0xe9: {  	s26 =	simm.s32 $0x7D00;
	p2 =	seq.s32 s1, $0x1  }
0xea: {  	[hbm4b:s10+s4] =	stream.indirect_vreg.scatter [tilespmem:s26], [sflag:$0x3], $0x80, v5, vm0, $0xb8;
	[tilespmem:$0x11D00] =	vst v63  }
.Ltmp7:
0xeb: {  	_ = 	snop;
	(pc) =	sbr.rel @p2 .LBB2_10-.Ltmp7, $4  }
0xec: {  	s28 =	simm.s32 $0x8500;
	s29 =	simm.s32 $0x8D00  }
0xed: {  	[hbm4b:s11+s4] =	stream.indirect_vreg.scatter [tilespmem:s28], [sflag:$0x3], $0x80, v5, vm0, $0xb8;
	[tilespmem:$0x11D00] =	vst v63  }
0xee: {  	s30 =	simm.s32 $0x9500;
	s2 =	sadd.s32 $0x10, s2;
	s1 =	sadd.s32 $0xFFFFFFFF, s1  }
0xef: {  	[hbm4b:s12+s4] =	stream.indirect_vreg.scatter [tilespmem:s29], [sflag:$0x3], $0x80, v5, vm0, $0xb8;
	[tilespmem:$0x11D00] =	vst v63  }
.LBB2_9:
0xf0: {  	[hbm4b:s13+s4] =	stream.indirect_vreg.scatter [tilespmem:s30], [sflag:$0x3], $0x80, v5, vm0, $0xb8;
	[tilespmem:$0x11D00] =	vst v63  }
0xf1: {  	p2 =	seq.s32 s1, $0x1;
	s1 =	sadd.s32 $0xFFFFFFFF, s1;
	v5 =	vld [tilespmem:s2+$0x0];
	_ =	sdelay $0x4  }
0xf2: {  	v6 =	vshll.u32 v5, $0x4  }
0xf3: {  	v5 =	vand.u32 $0x7, v5;
	v6 =	vand.u32 $0xFFFFFF80, v6  }
0xf4: {  	v5 =	vor.u32 v5, v6  }
0xf5: {  	v6 =	vperm.xlane v5, v2;
	v5 =	vperm.xlane v5, v4;
	_ =	sdelay $0x1  }
0xf6: {  	v6 =	vadd.s32 v3, v6;
	_ =	sdelay $0x4  }
0xf7: {  	[hbm4b:s3+s4] =	stream.indirect_vreg.scatter [tilespmem:s6], [sflag:$0x3], $0x80, v6, vm0, $0xb8;
	[tilespmem:$0x11D00] =	vst v63  }
0xf8: {  	_ = 	snop  }
0xf9: {  	[hbm4b:s7+s4] =	stream.indirect_vreg.scatter [tilespmem:s14], [sflag:$0x3], $0x80, v6, vm0, $0xb8;
	[tilespmem:$0x11D00] =	vst v63  }
0xfa: {  	_ = 	snop  }
0xfb: {  	[hbm4b:s8+s4] =	stream.indirect_vreg.scatter [tilespmem:s15], [sflag:$0x3], $0x80, v6, vm0, $0xb8;
	[tilespmem:$0x11D00] =	vst v63  }
0xfc: {  	_ = 	snop  }
0xfd: {  	[hbm4b:s9+s4] =	stream.indirect_vreg.scatter [tilespmem:s16], [sflag:$0x3], $0x80, v6, vm0, $0xb8;
	[tilespmem:$0x11D00] =	vst v63  }
0xfe: {  	_ = 	snop  }
0xff: {  	[hbm4b:s10+s4] =	stream.indirect_vreg.scatter [tilespmem:s5], [sflag:$0x3], $0x80, v6, vm0, $0xb8;
	[tilespmem:$0x11D00] =	vst v63  }
0x100: {  	_ = 	snop  }
0x101: {  	[hbm4b:s11+s4] =	stream.indirect_vreg.scatter [tilespmem:s17], [sflag:$0x3], $0x80, v6, vm0, $0xb8;
	[tilespmem:$0x11D00] =	vst v63  }
0x102: {  	v5 =	vadd.s32 v3, v5  }
0x103: {  	[hbm4b:s12+s4] =	stream.indirect_vreg.scatter [tilespmem:s20], [sflag:$0x3], $0x80, v6, vm0, $0xb8;
	[tilespmem:$0x11D00] =	vst v63  }
0x104: {  	_ = 	snop  }
0x105: {  	[hbm4b:s13+s4] =	stream.indirect_vreg.scatter [tilespmem:s21], [sflag:$0x3], $0x80, v6, vm0, $0xb8;
	[tilespmem:$0x11D00] =	vst v63  }
0x106: {  	_ = 	snop  }
0x107: {  	[hbm4b:s3+s4] =	stream.indirect_vreg.scatter [tilespmem:s22], [sflag:$0x3], $0x80, v5, vm0, $0xb8;
	[tilespmem:$0x11D00] =	vst v63  }
0x108: {  	_ = 	snop  }
0x109: {  	[hbm4b:s7+s4] =	stream.indirect_vreg.scatter [tilespmem:s23], [sflag:$0x3], $0x80, v5, vm0, $0xb8;
	[tilespmem:$0x11D00] =	vst v63  }
0x10a: {  	_ = 	snop  }
0x10b: {  	[hbm4b:s8+s4] =	stream.indirect_vreg.scatter [tilespmem:s24], [sflag:$0x3], $0x80, v5, vm0, $0xb8;
	[tilespmem:$0x11D00] =	vst v63  }
0x10c: {  	_ = 	snop  }
0x10d: {  	[hbm4b:s9+s4] =	stream.indirect_vreg.scatter [tilespmem:s25], [sflag:$0x3], $0x80, v5, vm0, $0xb8;
	[tilespmem:$0x11D00] =	vst v63  }
0x10e: {  	_ = 	snop  }
0x10f: {  	[hbm4b:s10+s4] =	stream.indirect_vreg.scatter [tilespmem:s26], [sflag:$0x3], $0x80, v5, vm0, $0xb8;
	[tilespmem:$0x11D00] =	vst v63  }
.Ltmp8:
0x110: {  	(pc) =	sbr.rel @!p2 .LBB2_9-.Ltmp8, $4  }
0x111: {  	[hbm4b:s11+s4] =	stream.indirect_vreg.scatter [tilespmem:s28], [sflag:$0x3], $0x80, v5, vm0, $0xb8;
	[tilespmem:$0x11D00] =	vst v63  }
0x112: {  	_ = 	snop  }
0x113: {  	[hbm4b:s12+s4] =	stream.indirect_vreg.scatter [tilespmem:s29], [sflag:$0x3], $0x80, v5, vm0, $0xb8;
	[tilespmem:$0x11D00] =	vst v63  }
0x114: {  	s2 =	sadd.s32 $0x10, s2  }
.LBB2_10:
0x115: {  	_ =	sdelay $0x3  }
0x116: {  	[hbm4b:s13+s4] =	stream.indirect_vreg.scatter [tilespmem:s30], [sflag:$0x3], $0x80, v5, vm0, $0xb8;
	[tilespmem:$0x11D00] =	vst v63  }
0x117: {  	s30 =	simm.s32 $0x9D00;
	s17 =	simm.s32 $0xA500  }
0x118: {  	s20 =	simm.s32 $0xAD00;
	s21 =	simm.s32 $0xB500;
	s22 =	simm.s32 $0xBD00  }
0x119: {  	s23 =	simm.s32 $0xC500;
	s24 =	simm.s32 $0xCD00;
	s25 =	simm.s32 $0xD500  }
0x11a: {  	s26 =	simm.s32 $0xDD00;
	s28 =	simm.s32 $0xE500;
	s29 =	simm.s32 $0xED00  }
.LBB2_11:
0x11b: {  	s1 =	sand.u32 $0xF, s0;
	s2 =	sshra.s32 s0, $0x1F  }
0x11c: {  	p2 =	slt.s32 s0, $0x1;
	p3 =	sne.s32 s1, $0x0;
	s5 =	sshrl.u32 s2, $0x1C  }
0x11d: {  	p4 =	por !p2, !p3;
	s1 =	sadd.s32 s5, s0  }
0x11e: {  	s2 =	simm.s32 $0x1;
	p4 =	por !p4, !p4;
	s1 =	sshra.s32 s1, $0x4  }
0x11f: {  	s2 =	simm.s32 @!p4 $0x0;
	[dreg:$0x10] =	wrdreg s1  }
0x120: {  	s1 =	ssub.s32 s1, s2;
	s2 =	rddreg [dreg:$0x11]  }
0x121: {  	p5 =	sge.s32 s2, s1  }
.Ltmp9:
0x122: {  	_ = 	snop;
	(pc) =	sbr.rel @p5 .LBB2_4-.Ltmp9, $4  }
0x123: {  	_ = 	snop  }
0x124: {  	[dreg:$0xf] =	wrdreg s31  }
0x125: {  	s31 =	rddreg [dreg:$0xb]  }
0x126: {  	s5 =	simm.s32 $0xF500;
	[dreg:$0xc] =	wrdreg s1  }
0x127: {  	s18 =	smov.u32 s2;
	s2 =	sshll.u32 s2, $0x6  }
0x128: {  	s2 =	sshra.s32 s2, $0x2  }
0x129: {  	s2 =	sadd.s32 $0x1880, s2  }
0x12a: {  	v5 =	vld [tilespmem:s2+$0x0];
	_ =	sdelay $0x4  }
0x12b: {  	v6 =	vshll.u32 v5, $0x4  }
0x12c: {  	v5 =	vand.u32 $0x7, v5;
	v6 =	vand.u32 $0xFFFFFF80, v6  }
0x12d: {  	v5 =	vor.u32 v5, v6  }
0x12e: {  	v6 =	vperm.xlane v5, v2;
	_ =	sdelay $0x1  }
0x12f: {  	v6 =	vadd.s32 v3, v6;
	_ =	sdelay $0x4  }
0x130: {  	[hbm4b:s3+s4] =	stream.indirect_vreg.scatter [tilespmem:s30], [sflag:$0x3], $0x80, v6, vm0, $0xb8;
	[tilespmem:$0x11D00] =	vst v63  }
0x131: {  	_ = 	snop  }
0x132: {  	[hbm4b:s7+s4] =	stream.indirect_vreg.scatter [tilespmem:s17], [sflag:$0x3], $0x80, v6, vm0, $0xb8;
	[tilespmem:$0x11D00] =	vst v63  }
0x133: {  	_ = 	snop  }
0x134: {  	[hbm4b:s8+s4] =	stream.indirect_vreg.scatter [tilespmem:s20], [sflag:$0x3], $0x80, v6, vm0, $0xb8;
	[tilespmem:$0x11D00] =	vst v63  }
0x135: {  	_ = 	snop  }
0x136: {  	[hbm4b:s9+s4] =	stream.indirect_vreg.scatter [tilespmem:s21], [sflag:$0x3], $0x80, v6, vm0, $0xb8;
	[tilespmem:$0x11D00] =	vst v63  }
0x137: {  	_ = 	snop  }
0x138: {  	[hbm4b:s10+s4] =	stream.indirect_vreg.scatter [tilespmem:s22], [sflag:$0x3], $0x80, v6, vm0, $0xb8;
	[tilespmem:$0x11D00] =	vst v63  }
0x139: {  	v5 =	vperm.xlane v5, v4  }
0x13a: {  	[hbm4b:s11+s4] =	stream.indirect_vreg.scatter [tilespmem:s23], [sflag:$0x3], $0x80, v6, vm0, $0xb8;
	[tilespmem:$0x11D00] =	vst v63  }
0x13b: {  	v5 =	vadd.s32 v3, v5  }
0x13c: {  	[hbm4b:s12+s4] =	stream.indirect_vreg.scatter [tilespmem:s24], [sflag:$0x3], $0x80, v6, vm0, $0xb8;
	[tilespmem:$0x11D00] =	vst v63  }
0x13d: {  	_ = 	snop  }
0x13e: {  	[hbm4b:s13+s4] =	stream.indirect_vreg.scatter [tilespmem:s25], [sflag:$0x3], $0x80, v6, vm0, $0xb8;
	[tilespmem:$0x11D00] =	vst v63  }
0x13f: {  	s1 =	simm.s32 $0xFFFFFFFF  }
0x140: {  	[hbm4b:s3+s4] =	stream.indirect_vreg.scatter [tilespmem:s26], [sflag:$0x3], $0x80, v5, vm0, $0xb8;
	[tilespmem:$0x11D00] =	vst v63  }
0x141: {  	s19 =	rddreg [dreg:$0x10];
	s1 =	simm.s32 @!p4 $0x0  }
0x142: {  	[hbm4b:s7+s4] =	stream.indirect_vreg.scatter [tilespmem:s28], [sflag:$0x3], $0x80, v5, vm0, $0xb8;
	[tilespmem:$0x11D00] =	vst v63  }
0x143: {  	s1 =	sadd.s32 s1, s19  }
0x144: {  	[hbm4b:s8+s4] =	stream.indirect_vreg.scatter [tilespmem:s29], [sflag:$0x3], $0x80, v5, vm0, $0xb8;
	[tilespmem:$0x11D00] =	vst v63  }
0x145: {  	s1 =	ssub.s32 s1, s18  }
0x146: {  	[hbm4b:s9+s4] =	stream.indirect_vreg.scatter [tilespmem:s5], [sflag:$0x3], $0x80, v5, vm0, $0xb8;
	[tilespmem:$0x11D00] =	vst v63  }
0x147: {  	s31 =	simm.s32 $0xFD00;
	p4 =	seq.s32 s1, $0x1  }
0x148: {  	[hbm4b:s10+s4] =	stream.indirect_vreg.scatter [tilespmem:s31], [sflag:$0x3], $0x80, v5, vm0, $0xb8;
	[tilespmem:$0x11D00] =	vst v63  }
.Ltmp10:
0x149: {  	_ = 	snop;
	(pc) =	sbr.rel @p4 .LBB2_14-.Ltmp10, $4  }
0x14a: {  	[dreg:$0x8] =	wrdreg s0;
	s0 =	simm.s32 $0x10500;
	s19 =	simm.s32 $0x11500  }
0x14b: {  	[hbm4b:s11+s4] =	stream.indirect_vreg.scatter [tilespmem:s0], [sflag:$0x3], $0x80, v5, vm0, $0xb8;
	[tilespmem:$0x11D00] =	vst v63  }
0x14c: {  	s18 =	simm.s32 $0x10D00;
	s2 =	sadd.s32 $0x10, s2;
	s1 =	sadd.s32 $0xFFFFFFFF, s1  }
0x14d: {  	[hbm4b:s12+s4] =	stream.indirect_vreg.scatter [tilespmem:s18], [sflag:$0x3], $0x80, v5, vm0, $0xb8;
	[tilespmem:$0x11D00] =	vst v63  }
.LBB2_13:
0x14e: {  	[hbm4b:s13+s4] =	stream.indirect_vreg.scatter [tilespmem:s19], [sflag:$0x3], $0x80, v5, vm0, $0xb8;
	[tilespmem:$0x11D00] =	vst v63  }
0x14f: {  	p4 =	seq.s32 s1, $0x1;
	s1 =	sadd.s32 $0xFFFFFFFF, s1;
	v5 =	vld [tilespmem:s2+$0x0];
	_ =	sdelay $0x4  }
0x150: {  	v6 =	vshll.u32 v5, $0x4  }
0x151: {  	v5 =	vand.u32 $0x7, v5;
	v6 =	vand.u32 $0xFFFFFF80, v6  }
0x152: {  	v5 =	vor.u32 v5, v6  }
0x153: {  	v6 =	vperm.xlane v5, v2;
	v5 =	vperm.xlane v5, v4;
	_ =	sdelay $0x1  }
0x154: {  	v6 =	vadd.s32 v3, v6;
	_ =	sdelay $0x4  }
0x155: {  	[hbm4b:s3+s4] =	stream.indirect_vreg.scatter [tilespmem:s30], [sflag:$0x3], $0x80, v6, vm0, $0xb8;
	[tilespmem:$0x11D00] =	vst v63  }
0x156: {  	_ = 	snop  }
0x157: {  	[hbm4b:s7+s4] =	stream.indirect_vreg.scatter [tilespmem:s17], [sflag:$0x3], $0x80, v6, vm0, $0xb8;
	[tilespmem:$0x11D00] =	vst v63  }
0x158: {  	_ = 	snop  }
0x159: {  	[hbm4b:s8+s4] =	stream.indirect_vreg.scatter [tilespmem:s20], [sflag:$0x3], $0x80, v6, vm0, $0xb8;
	[tilespmem:$0x11D00] =	vst v63  }
0x15a: {  	_ = 	snop  }
0x15b: {  	[hbm4b:s9+s4] =	stream.indirect_vreg.scatter [tilespmem:s21], [sflag:$0x3], $0x80, v6, vm0, $0xb8;
	[tilespmem:$0x11D00] =	vst v63  }
0x15c: {  	_ = 	snop  }
0x15d: {  	[hbm4b:s10+s4] =	stream.indirect_vreg.scatter [tilespmem:s22], [sflag:$0x3], $0x80, v6, vm0, $0xb8;
	[tilespmem:$0x11D00] =	vst v63  }
0x15e: {  	_ = 	snop  }
0x15f: {  	[hbm4b:s11+s4] =	stream.indirect_vreg.scatter [tilespmem:s23], [sflag:$0x3], $0x80, v6, vm0, $0xb8;
	[tilespmem:$0x11D00] =	vst v63  }
0x160: {  	v5 =	vadd.s32 v3, v5  }
0x161: {  	[hbm4b:s12+s4] =	stream.indirect_vreg.scatter [tilespmem:s24], [sflag:$0x3], $0x80, v6, vm0, $0xb8;
	[tilespmem:$0x11D00] =	vst v63  }
0x162: {  	_ = 	snop  }
0x163: {  	[hbm4b:s13+s4] =	stream.indirect_vreg.scatter [tilespmem:s25], [sflag:$0x3], $0x80, v6, vm0, $0xb8;
	[tilespmem:$0x11D00] =	vst v63  }
0x164: {  	_ = 	snop  }
0x165: {  	[hbm4b:s3+s4] =	stream.indirect_vreg.scatter [tilespmem:s26], [sflag:$0x3], $0x80, v5, vm0, $0xb8;
	[tilespmem:$0x11D00] =	vst v63  }
0x166: {  	_ = 	snop  }
0x167: {  	[hbm4b:s7+s4] =	stream.indirect_vreg.scatter [tilespmem:s28], [sflag:$0x3], $0x80, v5, vm0, $0xb8;
	[tilespmem:$0x11D00] =	vst v63  }
0x168: {  	_ = 	snop  }
0x169: {  	[hbm4b:s8+s4] =	stream.indirect_vreg.scatter [tilespmem:s29], [sflag:$0x3], $0x80, v5, vm0, $0xb8;
	[tilespmem:$0x11D00] =	vst v63  }
0x16a: {  	_ = 	snop  }
0x16b: {  	[hbm4b:s9+s4] =	stream.indirect_vreg.scatter [tilespmem:s5], [sflag:$0x3], $0x80, v5, vm0, $0xb8;
	[tilespmem:$0x11D00] =	vst v63  }
0x16c: {  	_ = 	snop  }
0x16d: {  	[hbm4b:s10+s4] =	stream.indirect_vreg.scatter [tilespmem:s31], [sflag:$0x3], $0x80, v5, vm0, $0xb8;
	[tilespmem:$0x11D00] =	vst v63  }
.Ltmp11:
0x16e: {  	(pc) =	sbr.rel @!p4 .LBB2_13-.Ltmp11, $4  }
0x16f: {  	[hbm4b:s11+s4] =	stream.indirect_vreg.scatter [tilespmem:s0], [sflag:$0x3], $0x80, v5, vm0, $0xb8;
	[tilespmem:$0x11D00] =	vst v63  }
0x170: {  	_ = 	snop  }
0x171: {  	[hbm4b:s12+s4] =	stream.indirect_vreg.scatter [tilespmem:s18], [sflag:$0x3], $0x80, v5, vm0, $0xb8;
	[tilespmem:$0x11D00] =	vst v63  }
0x172: {  	s2 =	sadd.s32 $0x10, s2  }
.Ltmp12:
0x173: {  	_ = 	snop;
	(pc) =	sbr.rel .LBB2_14-.Ltmp12, $1  }
0x174: {  	_ =	sdelay $0x3  }
.LBB2_15:
0x175: {  	s1 =	sadd.s32 @!p0 $0xFFFFFFFF, s5  }
0x176: {  	v5 =	vmov @!p0 s1;
	_ =	sdelay $0x3  }
0x177: {  	s1 =	simm.s32 @!p0 $0x1400  }
0x178: {  	v5 =	vld.idx.msk @!p0 [tilespmem:v5+s1+$0x0], $0xffff;
	s1 =	sadd.s32 @!p2 $0xFFFFFFFF, s0  }
0x179: {  	v6 =	vmov @!p2 s1  }
0x17a: {  	s1 =	sadd.s32 $0xF, s5  }
0x17b: {  	s31 =	smov.u32 s5;
	s5 =	sand.u32 $0xF, s1  }
0x17c: {  	p5 =	slt.s32 s1, $0x1;
	p4 =	sne.s32 s5, $0x0;
	s5 =	sshra.s32 s1, $0x1F  }
0x17d: {  	s2 =	simm.s32 @!p2 $0x1880;
	s5 =	sshrl.u32 s5, $0x1C;
	p4 =	por !p5, !p4;
	[tilespmem:s31+$0x1400] =	vst @!p0 v5  }
0x17e: {  	s1 =	sadd.s32 s5, s1;
	p4 =	por !p4, !p4;
	v5 =	vld.idx.msk @!p2 [tilespmem:v6+s2+$0x0], $0xffff;
	s2 =	simm.s32 $0x1  }
0x17f: {  	s1 =	sshra.s32 s1, $0x4;
	s2 =	simm.s32 @!p4 $0x0  }
0x180: {  	s5 =	rddreg [dreg:$0xd];
	s31 =	ssub.s32 s1, s2  }
0x181: {  	p4 =	sge.s32 s5, s31  }
.Ltmp13:
0x182: {  	_ = 	snop;
	(pc) =	sbr.rel @p4 .LBB2_19-.Ltmp13, $2  }
0x183: {  	_ =	sdelay $0x2  }
0x184: {  	[tilespmem:s0+$0x1880] =	vst @!p2 v5  }
0x185: {  	p0 =	por !p1, !p0  }
0x186: {  	s1 =	simm.s32 $0x1;
	p0 =	por !p0, !p0  }
0x187: {  	s2 =	rddreg [dreg:$0xf];
	s1 =	simm.s32 @!p0 $0x0  }
0x188: {  	s1 =	ssub.s32 s2, s1  }
0x189: {  	s1 =	sshll.u32 s1, $0x6  }
0x18a: {  	s1 =	sshra.s32 s1, $0x2  }
0x18b: {  	s2 =	sadd.s32 $0x1400, s1  }
0x18c: {  	v5 =	vld [tilespmem:s2+$0x0];
	_ =	sdelay $0x4  }
0x18d: {  	v6 =	vshll.u32 v5, $0x4  }
0x18e: {  	v5 =	vand.u32 $0x7, v5;
	v6 =	vand.u32 $0xFFFFFF80, v6  }
0x18f: {  	v5 =	vor.u32 v5, v6  }
0x190: {  	v6 =	vperm.xlane v5, v2;
	_ =	sdelay $0x1  }
0x191: {  	v6 =	vadd.s32 v3, v6;
	_ =	sdelay $0x4  }
0x192: {  	[hbm4b:s3+s4] =	stream.indirect_vreg.scatter [tilespmem:s6], [sflag:$0x3], $0x80, v6, vm0, $0xb8;
	[tilespmem:$0x11D00] =	vst v63  }
0x193: {  	_ = 	snop  }
0x194: {  	[hbm4b:s7+s4] =	stream.indirect_vreg.scatter [tilespmem:s14], [sflag:$0x3], $0x80, v6, vm0, $0xb8;
	[tilespmem:$0x11D00] =	vst v63  }
0x195: {  	_ = 	snop  }
0x196: {  	[hbm4b:s8+s4] =	stream.indirect_vreg.scatter [tilespmem:s15], [sflag:$0x3], $0x80, v6, vm0, $0xb8;
	[tilespmem:$0x11D00] =	vst v63  }
0x197: {  	_ = 	snop  }
0x198: {  	[hbm4b:s9+s4] =	stream.indirect_vreg.scatter [tilespmem:s16], [sflag:$0x3], $0x80, v6, vm0, $0xb8;
	[tilespmem:$0x11D00] =	vst v63  }
0x199: {  	s26 =	simm.s32 $0x3D00  }
0x19a: {  	[hbm4b:s10+s4] =	stream.indirect_vreg.scatter [tilespmem:s26], [sflag:$0x3], $0x80, v6, vm0, $0xb8;
	[tilespmem:$0x11D00] =	vst v63  }
0x19b: {  	s17 =	simm.s32 $0x4500;
	v5 =	vperm.xlane v5, v4  }
0x19c: {  	[hbm4b:s11+s4] =	stream.indirect_vreg.scatter [tilespmem:s17], [sflag:$0x3], $0x80, v6, vm0, $0xb8;
	[tilespmem:$0x11D00] =	vst v63  }
0x19d: {  	s20 =	simm.s32 $0x4D00;
	v5 =	vadd.s32 v3, v5  }
0x19e: {  	[hbm4b:s12+s4] =	stream.indirect_vreg.scatter [tilespmem:s20], [sflag:$0x3], $0x80, v6, vm0, $0xb8;
	[tilespmem:$0x11D00] =	vst v63  }
0x19f: {  	s21 =	simm.s32 $0x5500  }
0x1a0: {  	[hbm4b:s13+s4] =	stream.indirect_vreg.scatter [tilespmem:s21], [sflag:$0x3], $0x80, v6, vm0, $0xb8;
	[tilespmem:$0x11D00] =	vst v63  }
0x1a1: {  	s22 =	simm.s32 $0x5D00  }
0x1a2: {  	[hbm4b:s3+s4] =	stream.indirect_vreg.scatter [tilespmem:s22], [sflag:$0x3], $0x80, v5, vm0, $0xb8;
	[tilespmem:$0x11D00] =	vst v63  }
0x1a3: {  	s23 =	simm.s32 $0x6500  }
0x1a4: {  	[hbm4b:s7+s4] =	stream.indirect_vreg.scatter [tilespmem:s23], [sflag:$0x3], $0x80, v5, vm0, $0xb8;
	[tilespmem:$0x11D00] =	vst v63  }
0x1a5: {  	s24 =	simm.s32 $0x6D00  }
0x1a6: {  	[hbm4b:s8+s4] =	stream.indirect_vreg.scatter [tilespmem:s24], [sflag:$0x3], $0x80, v5, vm0, $0xb8;
	[tilespmem:$0x11D00] =	vst v63  }
0x1a7: {  	s25 =	simm.s32 $0x7500;
	s1 =	sadd.s32 $0x1, s5  }
0x1a8: {  	[hbm4b:s9+s4] =	stream.indirect_vreg.scatter [tilespmem:s25], [sflag:$0x3], $0x80, v5, vm0, $0xb8;
	[tilespmem:$0x11D00] =	vst v63  }
0x1a9: {  	p0 =	slt.s32 s1, s31;
	s26 =	simm.s32 $0x7D00  }
0x1aa: {  	[hbm4b:s10+s4] =	stream.indirect_vreg.scatter [tilespmem:s26], [sflag:$0x3], $0x80, v5, vm0, $0xb8;
	[tilespmem:$0x11D00] =	vst v63  }
.Ltmp14:
0x1ab: {  	_ = 	snop;
	(pc) =	sbr.rel @!p0 .LBB2_18-.Ltmp14, $4  }
0x1ac: {  	[dreg:$0x8] =	wrdreg s0;
	s0 =	simm.s32 $0x3D00;
	s28 =	simm.s32 $0x8500  }
0x1ad: {  	[hbm4b:s11+s4] =	stream.indirect_vreg.scatter [tilespmem:s28], [sflag:$0x3], $0x80, v5, vm0, $0xb8;
	[tilespmem:$0x11D00] =	vst v63  }
0x1ae: {  	s29 =	simm.s32 $0x8D00;
	s5 =	simm.s32 $0x9500;
	s2 =	sadd.s32 $0x10, s2  }
0x1af: {  	[hbm4b:s12+s4] =	stream.indirect_vreg.scatter [tilespmem:s29], [sflag:$0x3], $0x80, v5, vm0, $0xb8;
	[tilespmem:$0x11D00] =	vst v63  }
.LBB2_17:
0x1b0: {  	[hbm4b:s13+s4] =	stream.indirect_vreg.scatter [tilespmem:s5], [sflag:$0x3], $0x80, v5, vm0, $0xb8;
	[tilespmem:$0x11D00] =	vst v63  }
0x1b1: {  	s1 =	sadd.s32 $0x1, s1;
	v5 =	vld [tilespmem:s2+$0x0]  }
0x1b2: {  	p0 =	slt.s32 s1, s31;
	_ =	sdelay $0x3  }
0x1b3: {  	v6 =	vshll.u32 v5, $0x4  }
0x1b4: {  	v5 =	vand.u32 $0x7, v5;
	v6 =	vand.u32 $0xFFFFFF80, v6  }
0x1b5: {  	v5 =	vor.u32 v5, v6  }
0x1b6: {  	v6 =	vperm.xlane v5, v2;
	v5 =	vperm.xlane v5, v4;
	_ =	sdelay $0x1  }
0x1b7: {  	v6 =	vadd.s32 v3, v6;
	_ =	sdelay $0x4  }
0x1b8: {  	[hbm4b:s3+s4] =	stream.indirect_vreg.scatter [tilespmem:s6], [sflag:$0x3], $0x80, v6, vm0, $0xb8;
	[tilespmem:$0x11D00] =	vst v63  }
0x1b9: {  	_ = 	snop  }
0x1ba: {  	[hbm4b:s7+s4] =	stream.indirect_vreg.scatter [tilespmem:s14], [sflag:$0x3], $0x80, v6, vm0, $0xb8;
	[tilespmem:$0x11D00] =	vst v63  }
0x1bb: {  	_ = 	snop  }
0x1bc: {  	[hbm4b:s8+s4] =	stream.indirect_vreg.scatter [tilespmem:s15], [sflag:$0x3], $0x80, v6, vm0, $0xb8;
	[tilespmem:$0x11D00] =	vst v63  }
0x1bd: {  	_ = 	snop  }
0x1be: {  	[hbm4b:s9+s4] =	stream.indirect_vreg.scatter [tilespmem:s16], [sflag:$0x3], $0x80, v6, vm0, $0xb8;
	[tilespmem:$0x11D00] =	vst v63  }
0x1bf: {  	_ = 	snop  }
0x1c0: {  	[hbm4b:s10+s4] =	stream.indirect_vreg.scatter [tilespmem:s0], [sflag:$0x3], $0x80, v6, vm0, $0xb8;
	[tilespmem:$0x11D00] =	vst v63  }
0x1c1: {  	_ = 	snop  }
0x1c2: {  	[hbm4b:s11+s4] =	stream.indirect_vreg.scatter [tilespmem:s17], [sflag:$0x3], $0x80, v6, vm0, $0xb8;
	[tilespmem:$0x11D00] =	vst v63  }
0x1c3: {  	v5 =	vadd.s32 v3, v5  }
0x1c4: {  	[hbm4b:s12+s4] =	stream.indirect_vreg.scatter [tilespmem:s20], [sflag:$0x3], $0x80, v6, vm0, $0xb8;
	[tilespmem:$0x11D00] =	vst v63  }
0x1c5: {  	_ = 	snop  }
0x1c6: {  	[hbm4b:s13+s4] =	stream.indirect_vreg.scatter [tilespmem:s21], [sflag:$0x3], $0x80, v6, vm0, $0xb8;
	[tilespmem:$0x11D00] =	vst v63  }
0x1c7: {  	_ = 	snop  }
0x1c8: {  	[hbm4b:s3+s4] =	stream.indirect_vreg.scatter [tilespmem:s22], [sflag:$0x3], $0x80, v5, vm0, $0xb8;
	[tilespmem:$0x11D00] =	vst v63  }
0x1c9: {  	_ = 	snop  }
0x1ca: {  	[hbm4b:s7+s4] =	stream.indirect_vreg.scatter [tilespmem:s23], [sflag:$0x3], $0x80, v5, vm0, $0xb8;
	[tilespmem:$0x11D00] =	vst v63  }
0x1cb: {  	_ = 	snop  }
0x1cc: {  	[hbm4b:s8+s4] =	stream.indirect_vreg.scatter [tilespmem:s24], [sflag:$0x3], $0x80, v5, vm0, $0xb8;
	[tilespmem:$0x11D00] =	vst v63  }
0x1cd: {  	_ = 	snop  }
0x1ce: {  	[hbm4b:s9+s4] =	stream.indirect_vreg.scatter [tilespmem:s25], [sflag:$0x3], $0x80, v5, vm0, $0xb8;
	[tilespmem:$0x11D00] =	vst v63  }
0x1cf: {  	_ = 	snop  }
0x1d0: {  	[hbm4b:s10+s4] =	stream.indirect_vreg.scatter [tilespmem:s26], [sflag:$0x3], $0x80, v5, vm0, $0xb8;
	[tilespmem:$0x11D00] =	vst v63  }
.Ltmp15:
0x1d1: {  	(pc) =	sbr.rel @p0 .LBB2_17-.Ltmp15, $4  }
0x1d2: {  	[hbm4b:s11+s4] =	stream.indirect_vreg.scatter [tilespmem:s28], [sflag:$0x3], $0x80, v5, vm0, $0xb8;
	[tilespmem:$0x11D00] =	vst v63  }
0x1d3: {  	_ = 	snop  }
0x1d4: {  	[hbm4b:s12+s4] =	stream.indirect_vreg.scatter [tilespmem:s29], [sflag:$0x3], $0x80, v5, vm0, $0xb8;
	[tilespmem:$0x11D00] =	vst v63  }
0x1d5: {  	s2 =	sadd.s32 $0x10, s2  }
.LBB2_18:
0x1d6: {  	_ =	sdelay $0x3  }
0x1d7: {  	[hbm4b:s13+s4] =	stream.indirect_vreg.scatter [tilespmem:s5], [sflag:$0x3], $0x80, v5, vm0, $0xb8;
	[tilespmem:$0x11D00] =	vst v63  }
0x1d8: {  	s17 =	simm.s32 $0xA500;
	s20 =	simm.s32 $0xAD00  }
0x1d9: {  	s21 =	simm.s32 $0xB500;
	s22 =	simm.s32 $0xBD00;
	s23 =	simm.s32 $0xC500  }
0x1da: {  	s24 =	simm.s32 $0xCD00;
	s25 =	simm.s32 $0xD500;
	s26 =	simm.s32 $0xDD00  }
0x1db: {  	s28 =	simm.s32 $0xE500;
	s29 =	simm.s32 $0xED00;
	s0 =	rddreg [dreg:$0x8]  }
.LBB2_19:
0x1dc: {  	s1 =	sadd.s32 $0xF, s0  }
0x1dd: {  	s2 =	sand.u32 $0xF, s1  }
0x1de: {  	s5 =	sshra.s32 s1, $0x1F;
	p0 =	slt.s32 s1, $0x1;
	p1 =	sne.s32 s2, $0x0  }
0x1df: {  	s14 =	sshrl.u32 s5, $0x1C;
	p0 =	por !p0, !p1  }
0x1e0: {  	s2 =	simm.s32 $0x1;
	s1 =	sadd.s32 s14, s1;
	p0 =	por !p0, !p0  }
0x1e1: {  	s1 =	sshra.s32 s1, $0x4;
	s2 =	simm.s32 @!p0 $0x0  }
0x1e2: {  	s16 =	rddreg [dreg:$0xc];
	s15 =	ssub.s32 s1, s2  }
0x1e3: {  	p0 =	sge.s32 s16, s15  }
.Ltmp16:
0x1e4: {  	_ = 	snop;
	(pc) =	sbr.rel @p0 .LBB2_23-.Ltmp16, $3  }
0x1e5: {  	_ =	sdelay $0x1  }
0x1e6: {  	s6 =	simm.s32 $0xFD00;
	s0 =	simm.s32 $0x10D00;
	s5 =	simm.s32 $0xF500  }
0x1e7: {  	s14 =	simm.s32 $0x10500;
	[dreg:$0x12] =	wrdreg s15;
	s15 =	simm.s32 $0x11500  }
0x1e8: {  	p0 =	por !p3, !p2  }
0x1e9: {  	s1 =	simm.s32 $0x1;
	p0 =	por !p0, !p0  }
0x1ea: {  	s2 =	rddreg [dreg:$0x10];
	s1 =	simm.s32 @!p0 $0x0  }
0x1eb: {  	s1 =	ssub.s32 s2, s1  }
0x1ec: {  	s1 =	sshll.u32 s1, $0x6  }
0x1ed: {  	s1 =	sshra.s32 s1, $0x2  }
0x1ee: {  	s2 =	sadd.s32 $0x1880, s1  }
0x1ef: {  	v5 =	vld [tilespmem:s2+$0x0];
	_ =	sdelay $0x4  }
0x1f0: {  	v6 =	vshll.u32 v5, $0x4  }
0x1f1: {  	v5 =	vand.u32 $0x7, v5;
	v6 =	vand.u32 $0xFFFFFF80, v6  }
0x1f2: {  	v5 =	vor.u32 v5, v6  }
0x1f3: {  	v6 =	vperm.xlane v5, v2;
	_ =	sdelay $0x1  }
0x1f4: {  	v6 =	vadd.s32 v3, v6;
	_ =	sdelay $0x4  }
0x1f5: {  	[hbm4b:s3+s4] =	stream.indirect_vreg.scatter [tilespmem:s30], [sflag:$0x3], $0x80, v6, vm0, $0xb8;
	[tilespmem:$0x11D00] =	vst v63  }
0x1f6: {  	_ = 	snop  }
0x1f7: {  	[hbm4b:s7+s4] =	stream.indirect_vreg.scatter [tilespmem:s17], [sflag:$0x3], $0x80, v6, vm0, $0xb8;
	[tilespmem:$0x11D00] =	vst v63  }
0x1f8: {  	_ = 	snop  }
0x1f9: {  	[hbm4b:s8+s4] =	stream.indirect_vreg.scatter [tilespmem:s20], [sflag:$0x3], $0x80, v6, vm0, $0xb8;
	[tilespmem:$0x11D00] =	vst v63  }
0x1fa: {  	_ = 	snop  }
0x1fb: {  	[hbm4b:s9+s4] =	stream.indirect_vreg.scatter [tilespmem:s21], [sflag:$0x3], $0x80, v6, vm0, $0xb8;
	[tilespmem:$0x11D00] =	vst v63  }
0x1fc: {  	_ = 	snop  }
0x1fd: {  	[hbm4b:s10+s4] =	stream.indirect_vreg.scatter [tilespmem:s22], [sflag:$0x3], $0x80, v6, vm0, $0xb8;
	[tilespmem:$0x11D00] =	vst v63  }
0x1fe: {  	v5 =	vperm.xlane v5, v4  }
0x1ff: {  	[hbm4b:s11+s4] =	stream.indirect_vreg.scatter [tilespmem:s23], [sflag:$0x3], $0x80, v6, vm0, $0xb8;
	[tilespmem:$0x11D00] =	vst v63  }
0x200: {  	v5 =	vadd.s32 v3, v5  }
0x201: {  	[hbm4b:s12+s4] =	stream.indirect_vreg.scatter [tilespmem:s24], [sflag:$0x3], $0x80, v6, vm0, $0xb8;
	[tilespmem:$0x11D00] =	vst v63  }
0x202: {  	_ = 	snop  }
0x203: {  	[hbm4b:s13+s4] =	stream.indirect_vreg.scatter [tilespmem:s25], [sflag:$0x3], $0x80, v6, vm0, $0xb8;
	[tilespmem:$0x11D00] =	vst v63  }
0x204: {  	_ = 	snop  }
0x205: {  	[hbm4b:s3+s4] =	stream.indirect_vreg.scatter [tilespmem:s26], [sflag:$0x3], $0x80, v5, vm0, $0xb8;
	[tilespmem:$0x11D00] =	vst v63  }
0x206: {  	_ = 	snop  }
0x207: {  	[hbm4b:s7+s4] =	stream.indirect_vreg.scatter [tilespmem:s28], [sflag:$0x3], $0x80, v5, vm0, $0xb8;
	[tilespmem:$0x11D00] =	vst v63  }
0x208: {  	_ = 	snop  }
0x209: {  	[hbm4b:s8+s4] =	stream.indirect_vreg.scatter [tilespmem:s29], [sflag:$0x3], $0x80, v5, vm0, $0xb8;
	[tilespmem:$0x11D00] =	vst v63  }
0x20a: {  	s1 =	sadd.s32 $0x1, s16;
	s16 =	rddreg [dreg:$0x12]  }
0x20b: {  	[hbm4b:s9+s4] =	stream.indirect_vreg.scatter [tilespmem:s5], [sflag:$0x3], $0x80, v5, vm0, $0xb8;
	[tilespmem:$0x11D00] =	vst v63  }
0x20c: {  	p0 =	slt.s32 s1, s16  }
0x20d: {  	[hbm4b:s10+s4] =	stream.indirect_vreg.scatter [tilespmem:s6], [sflag:$0x3], $0x80, v5, vm0, $0xb8;
	[tilespmem:$0x11D00] =	vst v63  }
.Ltmp17:
0x20e: {  	_ = 	snop;
	(pc) =	sbr.rel @!p0 .LBB2_22-.Ltmp17, $4  }
0x20f: {  	_ = 	snop  }
0x210: {  	[hbm4b:s11+s4] =	stream.indirect_vreg.scatter [tilespmem:s14], [sflag:$0x3], $0x80, v5, vm0, $0xb8;
	[tilespmem:$0x11D00] =	vst v63  }
0x211: {  	s2 =	sadd.s32 $0x10, s2  }
0x212: {  	[hbm4b:s12+s4] =	stream.indirect_vreg.scatter [tilespmem:s0], [sflag:$0x3], $0x80, v5, vm0, $0xb8;
	[tilespmem:$0x11D00] =	vst v63  }
.LBB2_21:
0x213: {  	[hbm4b:s13+s4] =	stream.indirect_vreg.scatter [tilespmem:s15], [sflag:$0x3], $0x80, v5, vm0, $0xb8;
	[tilespmem:$0x11D00] =	vst v63  }
0x214: {  	s1 =	sadd.s32 $0x1, s1;
	v5 =	vld [tilespmem:s2+$0x0]  }
0x215: {  	p0 =	slt.s32 s1, s16;
	_ =	sdelay $0x3  }
0x216: {  	v6 =	vshll.u32 v5, $0x4  }
0x217: {  	v5 =	vand.u32 $0x7, v5;
	v6 =	vand.u32 $0xFFFFFF80, v6  }
0x218: {  	v5 =	vor.u32 v5, v6  }
0x219: {  	v6 =	vperm.xlane v5, v2;
	v5 =	vperm.xlane v5, v4;
	_ =	sdelay $0x1  }
0x21a: {  	v6 =	vadd.s32 v3, v6;
	_ =	sdelay $0x4  }
0x21b: {  	[hbm4b:s3+s4] =	stream.indirect_vreg.scatter [tilespmem:s30], [sflag:$0x3], $0x80, v6, vm0, $0xb8;
	[tilespmem:$0x11D00] =	vst v63  }
0x21c: {  	_ = 	snop  }
0x21d: {  	[hbm4b:s7+s4] =	stream.indirect_vreg.scatter [tilespmem:s17], [sflag:$0x3], $0x80, v6, vm0, $0xb8;
	[tilespmem:$0x11D00] =	vst v63  }
0x21e: {  	_ = 	snop  }
0x21f: {  	[hbm4b:s8+s4] =	stream.indirect_vreg.scatter [tilespmem:s20], [sflag:$0x3], $0x80, v6, vm0, $0xb8;
	[tilespmem:$0x11D00] =	vst v63  }
0x220: {  	_ = 	snop  }
0x221: {  	[hbm4b:s9+s4] =	stream.indirect_vreg.scatter [tilespmem:s21], [sflag:$0x3], $0x80, v6, vm0, $0xb8;
	[tilespmem:$0x11D00] =	vst v63  }
0x222: {  	_ = 	snop  }
0x223: {  	[hbm4b:s10+s4] =	stream.indirect_vreg.scatter [tilespmem:s22], [sflag:$0x3], $0x80, v6, vm0, $0xb8;
	[tilespmem:$0x11D00] =	vst v63  }
0x224: {  	_ = 	snop  }
0x225: {  	[hbm4b:s11+s4] =	stream.indirect_vreg.scatter [tilespmem:s23], [sflag:$0x3], $0x80, v6, vm0, $0xb8;
	[tilespmem:$0x11D00] =	vst v63  }
0x226: {  	v5 =	vadd.s32 v3, v5  }
0x227: {  	[hbm4b:s12+s4] =	stream.indirect_vreg.scatter [tilespmem:s24], [sflag:$0x3], $0x80, v6, vm0, $0xb8;
	[tilespmem:$0x11D00] =	vst v63  }
0x228: {  	_ = 	snop  }
0x229: {  	[hbm4b:s13+s4] =	stream.indirect_vreg.scatter [tilespmem:s25], [sflag:$0x3], $0x80, v6, vm0, $0xb8;
	[tilespmem:$0x11D00] =	vst v63  }
0x22a: {  	_ = 	snop  }
0x22b: {  	[hbm4b:s3+s4] =	stream.indirect_vreg.scatter [tilespmem:s26], [sflag:$0x3], $0x80, v5, vm0, $0xb8;
	[tilespmem:$0x11D00] =	vst v63  }
0x22c: {  	_ = 	snop  }
0x22d: {  	[hbm4b:s7+s4] =	stream.indirect_vreg.scatter [tilespmem:s28], [sflag:$0x3], $0x80, v5, vm0, $0xb8;
	[tilespmem:$0x11D00] =	vst v63  }
0x22e: {  	_ = 	snop  }
0x22f: {  	[hbm4b:s8+s4] =	stream.indirect_vreg.scatter [tilespmem:s29], [sflag:$0x3], $0x80, v5, vm0, $0xb8;
	[tilespmem:$0x11D00] =	vst v63  }
0x230: {  	_ = 	snop  }
0x231: {  	[hbm4b:s9+s4] =	stream.indirect_vreg.scatter [tilespmem:s5], [sflag:$0x3], $0x80, v5, vm0, $0xb8;
	[tilespmem:$0x11D00] =	vst v63  }
0x232: {  	_ = 	snop  }
0x233: {  	[hbm4b:s10+s4] =	stream.indirect_vreg.scatter [tilespmem:s6], [sflag:$0x3], $0x80, v5, vm0, $0xb8;
	[tilespmem:$0x11D00] =	vst v63  }
.Ltmp18:
0x234: {  	(pc) =	sbr.rel @p0 .LBB2_21-.Ltmp18, $4  }
0x235: {  	[hbm4b:s11+s4] =	stream.indirect_vreg.scatter [tilespmem:s14], [sflag:$0x3], $0x80, v5, vm0, $0xb8;
	[tilespmem:$0x11D00] =	vst v63  }
0x236: {  	_ = 	snop  }
0x237: {  	[hbm4b:s12+s4] =	stream.indirect_vreg.scatter [tilespmem:s0], [sflag:$0x3], $0x80, v5, vm0, $0xb8;
	[tilespmem:$0x11D00] =	vst v63  }
0x238: {  	s2 =	sadd.s32 $0x10, s2  }
.LBB2_22:
0x239: {  	_ =	sdelay $0x3  }
0x23a: {  	[hbm4b:s13+s4] =	stream.indirect_vreg.scatter [tilespmem:s15], [sflag:$0x3], $0x80, v5, vm0, $0xb8;
	[tilespmem:$0x11D00] =	vst v63  }
.LBB2_23:
0x23b: {  	s0 =	rddreg [dreg:$0x12]  }
0x23c: {  	s1 =	sadd.s32 s31, s0  }
0x23d: {  	p0 =	slt.s32 s1, $0x1  }
.Ltmp19:
0x23e: {  	_ = 	snop;
	(pc) =	sbr.rel @p0 .LBB2_27-.Ltmp19, $2  }
0x23f: {  	_ =	sdelay $0x2  }
0x240: {  	s2 =	rddreg [dreg:$0x7];
	s0 =	simm.s32 $0x3  }
0x241: {  	p0 =	sne.s32 s1, $0x1  }
.Ltmp20:
0x242: {  	_ = 	snop;
	(pc) =	sbr.rel @!p0 .LBB2_26-.Ltmp20, $3  }
0x243: {  	_ =	sdelay $0x1  }
0x244: {  	_ =	swait.ge [sflag:s0], $0x8000  }
0x245: {  	s1 =	sadd.s32 $0xFFFFFFFF, s1;
	[sflag:s0] =	ssyncset.done $0x0  }
.LBB2_25:
0x246: {  	p0 =	sne.s32 s1, $0x1;
	s1 =	sadd.s32 $0xFFFFFFFF, s1;
	[sflag:s0] =	ssyncadd.s32 $0xFFFF8000  }
.Ltmp21:
0x247: {  	(pc) =	sbr.rel @p0 .LBB2_25-.Ltmp21, $3  }
0x248: {  	_ =	sdelay $0x1  }
0x249: {  	_ =	swait.ge [sflag:s0], $0x8000  }
0x24a: {  	[sflag:s0] =	ssyncset.done $0x0  }
.Ltmp22:
0x24b: {  	_ = 	snop;
	(pc) =	sbr.rel .LBB2_26-.Ltmp22, $1  }
0x24c: {  	_ =	sdelay $0x3  }
.LBB2_28:
0x24d: {  	_ =	sfence.sel $0x180000  }
0x24e: {  	[bflag:$0x0] =	sbarrier.arrive $0xFFFF  }
0x24f: {  	_ =	strace $0x90000047  }
0x250: {  	s0 =	stileid.u32;
	[bflag:$0x2] =	sbarrier.arrive $0xFFFF  }
0x251: {  	p0 =	sne.s32 s0, $0x0;
	s0 =	rddreg [dreg:$0x3]  }
0x252: {  	s0 =	sadd.s32 @!p0 $0x100000, s0  }
0x253: {  	[sflag:s0] =	ssyncadd.tile.s32 @!p0 $0x1;
	_ =	shalt  }
.Lfunc_end2:
_tile_overlayer_lowered:
.L_overlay_start_2:
0x254: {  	(tag) =	ssettag $0x2  }
0x255: {  	s0 =	rddreg [dreg:$0x0];
	s2 =	stileid.u32  }
0x256: {  	s1 =	rddreg [dreg:$0x1];
	p0 =	sne.s32 s2, $0x0  }
0x257: {  	s3 =	rddreg [dreg:$0x2];
	[bflag:$0x3] =	sbarrier.arrive $0xFFFF;
	s2 =	simm.s32 @!p0 $0x1C04  }
0x258: {  	[timem:s3], [sflag:s2] =	dma.local @!p0 [hbm:s0], s1  }
0x259: {  	s0 =	simm.s32 @!p0 $0x4  }
0x25a: {  	_ =	swait.ge @!p0 [sflag:s0], s1  }
0x25b: {  	s1 =	ssub.s32 @!p0 $0x0, s1;
	[sflag:s0] =	ssyncset.done @!p0 $0x0  }
0x25c: {  	[sflag:s0] =	ssyncadd.s32 @!p0 s1  }
0x25d: {  	[bflag:$0x3] =	sbarrier.arrive $0xFFFF  }
0x25e: {  	_ =	shalt  }

</sc_bundles>
